<compile_context>
chip_gen: v7x
topology: tpu7x:2x2x1
jax: 0.10.2.dev20260603
libtpu: 0.0.44.dev20260713+nightly
codegen_flags: <defaults>
</compile_context>

<pallas_src>
import jax
import jax.numpy as jnp
from jax import lax
from jax.experimental import pallas as pl
from jax.experimental.pallas import tpu as pltpu
from jax.experimental.pallas import tpu_sc as plsc

N = 10000
E = 320000
D_IN = 128
D_H = 256
D_OUT = 128
G = 128

NC = 2
NS = 16
NW = NC * NS

NP = 10240
ROWS_W = NP // NW
ROWS_T = NP // NS

EC = 128
KW = 80
EP = NW * KW * EC


def _sc_mesh():
    return plsc.VectorSubcoreMesh(core_axis_name="c", subcore_axis_name="s")


def _gather_body(embed_hbm, nid_hbm, x_hbm, idx_v, rows_v, gsem, wsem):
    wid = lax.axis_index("s") * NC + lax.axis_index("c")
    base = jnp.minimum(wid * ROWS_W, N - ROWS_W)
    pltpu.sync_copy(nid_hbm.at[pl.ds(base, ROWS_W)], idx_v)
    chunks = ((0, 128), (128, 128), (256, 64))
    descs = [
        pltpu.async_copy(
            embed_hbm.at[idx_v.at[pl.ds(off, sz)]],
            rows_v.at[pl.ds(off, sz)],
            gsem,
        )
        for off, sz in chunks
    ]
    writes = []
    for (off, sz), d in zip(chunks, descs):
        d.wait()
        writes.append(
            pltpu.async_copy(rows_v.at[pl.ds(off, sz)],
                             x_hbm.at[pl.ds(base + off, sz)], wsem)
        )
    for w in writes:
        w.wait()


def _gather_call(embed, nid):
    k = pl.kernel(
        _gather_body,
        out_type=jax.ShapeDtypeStruct((N, D_IN), jnp.float32),
        mesh=_sc_mesh(),
        scratch_types=[
            pltpu.VMEM((ROWS_W,), jnp.int32),
            pltpu.VMEM((ROWS_W, D_IN), jnp.float32),
            pltpu.SemaphoreType.DMA,
            pltpu.SemaphoreType.DMA,
        ],
    )
    return k(embed, nid)


KH = KW // 2


def _edge_body(x_hbm, src_hbm, dst_hbm, agg_hbm,
               src_v, dst_v, buf0, buf1, gsem, ssem, agg_sh):
    cid = lax.axis_index("c")
    sid = lax.axis_index("s")
    wid = sid * NC + cid

    zv = jnp.zeros((16,), jnp.float32)

    def zr(i, carry):
        buf0[i // 8, pl.ds((i % 8) * 16, 16)] = zv
        return carry

    lax.fori_loop(0, EC * 8, zr, 0)
    for c in range(ROWS_T // EC):
        pltpu.sync_copy(buf0, agg_sh.at[pl.ds(sid * ROWS_T + c * EC, EC)])
    plsc.subcore_barrier()

    def drain_scatter(buf):
        pltpu.make_async_copy(buf, agg_sh.at[dst_v.at[0]], ssem).wait()

    for half in range(2):
        pltpu.sync_copy(src_hbm.at[pl.ds(wid * KW + half * KH, KH)], src_v)
        pltpu.sync_copy(dst_hbm.at[pl.ds(wid * KW + half * KH, KH)], dst_v)

        def body(i, carry):
            c0 = 2 * i

            @pl.when(i > 0)
            def _():
                drain_scatter(buf0)

            g0 = pltpu.async_copy(x_hbm.at[src_v.at[c0]], buf0, gsem)

            @pl.when(i > 0)
            def _():
                drain_scatter(buf1)

            g1 = pltpu.async_copy(x_hbm.at[src_v.at[c0 + 1]], buf1, gsem)
            g0.wait()
            pltpu.async_copy(buf0, agg_sh.at[dst_v.at[c0]], ssem, add=True)
            g1.wait()
            pltpu.async_copy(buf1, agg_sh.at[dst_v.at[c0 + 1]], ssem,
                             add=True)
            return carry

        lax.fori_loop(0, KH // 2, body, 0)
        drain_scatter(buf0)
        drain_scatter(buf1)
    plsc.subcore_barrier()
    pltpu.sync_copy(
        agg_sh.at[pl.ds(sid * ROWS_T, ROWS_T)],
        agg_hbm.at[cid, pl.ds(sid * ROWS_T, ROWS_T)],
    )


def _edge_call(x, src2d, dst2d):
    k = pl.kernel(
        _edge_body,
        out_type=jax.ShapeDtypeStruct((NC, NP, D_IN), jnp.float32),
        mesh=_sc_mesh(),
        scratch_types=[
            pltpu.VMEM((KH, EC), jnp.int32),
            pltpu.VMEM((KH, EC), jnp.int32),
            pltpu.VMEM((EC, D_IN), jnp.float32),
            pltpu.VMEM((EC, D_IN), jnp.float32),
            pltpu.SemaphoreType.DMA,
            pltpu.SemaphoreType.DMA,
            pltpu.VMEM_SHARED((NP, D_IN), jnp.float32),
        ],
    )
    return k(x, src2d, dst2d)


def _bn_cols(h, g, b):
    mu = jnp.mean(h, axis=0, keepdims=True)
    var = jnp.mean((h - mu) * (h - mu), axis=0, keepdims=True)
    return (h - mu) * lax.rsqrt(var + 1e-5) * g + b


def _dot_f32(a, b):
    return jnp.dot(a.astype(jnp.bfloat16), b.astype(jnp.bfloat16),
                   preferred_element_type=jnp.float32)


def _mlp_body(x_ref, agg_ref, batch_ref,
              w1_ref, b1_ref, g1_ref, be1_ref,
              w2_ref, b2_ref, gbn_ref, bbn_ref,
              wp0_ref, bp0_ref, wp1_ref, bp1_ref,
              out_ref):
    x = x_ref[0:N, :]
    h = x + agg_ref[0, 0:N, :] + agg_ref[1, 0:N, :]
    h1 = _dot_f32(h, w1_ref[...]) + b1_ref[...]
    h1 = _bn_cols(h1, g1_ref[...], be1_ref[...])
    h1 = jnp.maximum(h1, 0.0)
    h2 = _dot_f32(h1, w2_ref[...]) + b2_ref[...]
    h2 = _bn_cols(h2, gbn_ref[...], bbn_ref[...])
    h2 = jnp.maximum(h2, 0.0)
    score = (_dot_f32(x, wp0_ref[...]) + bp0_ref[...]
             + _dot_f32(h2, wp1_ref[...]) + bp1_ref[...])
    onehot = (batch_ref[...] ==
              lax.broadcasted_iota(jnp.int32, (N, G), 1)).astype(jnp.float32)
    sums = lax.dot_general(onehot.astype(jnp.bfloat16),
                           score.astype(jnp.bfloat16),
                           dimension_numbers=(((0,), (0,)), ((), ())),
                           preferred_element_type=jnp.float32)
    counts = jnp.sum(onehot, axis=0)
    out_ref[...] = sums / jnp.maximum(counts, 1.0)[:, None]


def _mlp_call(x, agg, batch2d, W1, b1, g1, be1, W2, b2, g_bn, b_bn,
              Wp0, bp0, Wp1, bp1):
    return pl.pallas_call(
        _mlp_body,
        out_shape=jax.ShapeDtypeStruct((G, D_OUT), jnp.float32),
    )(x, agg, batch2d,
      W1, b1.reshape(1, -1), g1.reshape(1, -1), be1.reshape(1, -1),
      W2, b2.reshape(1, -1), g_bn.reshape(1, -1), b_bn.reshape(1, -1),
      Wp0, bp0.reshape(1, -1), Wp1, bp1.reshape(1, -1))


def kernel(node_ids, edge_index, batch, embed, W1, b1, g1, be1, W2, b2,
           g_bn, b_bn, Wp0, bp0, Wp1, bp1):
    src = edge_index[0].astype(jnp.int32)
    dst = edge_index[1].astype(jnp.int32)
    pad_iota = jnp.arange(EP - E, dtype=jnp.int32)
    src2d = jnp.concatenate([src, pad_iota % N]).reshape(NW * KW, EC)
    dst2d = jnp.concatenate([dst, N + pad_iota % (NP - N)]).reshape(
        NW * KW, EC)
    x = _gather_call(embed, node_ids.astype(jnp.int32))
    agg = _edge_call(x, src2d, dst2d)
    batch2d = batch.astype(jnp.int32).reshape(N, 1)
    return _mlp_call(x, agg, batch2d, W1, b1, g1, be1, W2, b2,
                     g_bn, b_bn, Wp0, bp0, Wp1, bp1)

# --- scband reference (transcript-rebuilt; emitter-appended) ---
"""Pipeline reference for scband-ginnet-20083267076738 (READ-ONLY COPY).

The authoritative reference and input builder live on the scoring server;
editing this copy changes nothing except your own understanding.
"""

import jax, jax.numpy as jnp
import numpy as np

N = 10000
E = 320000
NUM_EMBS = 100000
D_IN = 128
D_H = 256
D_OUT = 128
G = 128


def setup_inputs(seed: int = 0):
    key = jax.random.key(seed)
    ks = jax.random.split(key, 12)
    node_ids = jax.random.randint(ks[0], (N,), 0, NUM_EMBS)
    edge_index = jax.random.randint(ks[1], (2, E), 0, N)
    batch = jnp.sort(jax.random.randint(ks[2], (N,), 0, G))
    embed = jax.random.normal(ks[3], (NUM_EMBS, D_IN), dtype=jnp.float32) * 0.1
    W1 = jax.random.normal(ks[4], (D_IN, D_H), dtype=jnp.float32) * 0.05
    b1 = jnp.zeros((D_H,), dtype=jnp.float32)
    g1 = jnp.ones((D_H,), dtype=jnp.float32)
    be1 = jnp.zeros((D_H,), dtype=jnp.float32)
    W2 = jax.random.normal(ks[5], (D_H, D_H), dtype=jnp.float32) * 0.05
    b2 = jnp.zeros((D_H,), dtype=jnp.float32)
    g_bn = jnp.ones((D_H,), dtype=jnp.float32)
    b_bn = jnp.zeros((D_H,), dtype=jnp.float32)
    Wp0 = jax.random.normal(ks[6], (D_IN, D_OUT), dtype=jnp.float32) * 0.05
    bp0 = jnp.zeros((D_OUT,), dtype=jnp.float32)
    Wp1 = jax.random.normal(ks[7], (D_H, D_OUT), dtype=jnp.float32) * 0.05
    bp1 = jnp.zeros((D_OUT,), dtype=jnp.float32)
    return {"node_ids": node_ids, "edge_index": edge_index, "batch": batch,
            "embed": embed, "W1": W1, "b1": b1, "g1": g1, "be1": be1,
            "W2": W2, "b2": b2, "g_bn": g_bn, "b_bn": b_bn,
            "Wp0": Wp0, "bp0": bp0, "Wp1": Wp1, "bp1": bp1}


def _bn(h, g, b):
    mu = h.mean(axis=0)
    var = h.var(axis=0)
    return (h - mu) / jnp.sqrt(var + 1e-5) * g + b


def reference(node_ids, edge_index, batch, embed, W1, b1, g1, be1, W2, b2, g_bn, b_bn, Wp0, bp0, Wp1, bp1):
    # embedding lookup (gather)
    x = jnp.take(embed, node_ids, axis=0)
    hidden0 = x
    # GINConv (eps=0, sum aggregation): h_i = mlp(x_i + sum_{j->i} x_j)
    src = edge_index[0]
    dst = edge_index[1]
    agg = jnp.zeros_like(x).at[dst].add(jnp.take(x, src, axis=0))
    h = x + agg
    # MLP: Linear -> BN -> ReLU -> Linear
    h = _bn(h @ W1 + b1, g1, be1)
    h = jax.nn.relu(h)
    h = h @ W2 + b2
    # outer BatchNorm + ReLU
    h = _bn(h, g_bn, b_bn)
    h = jax.nn.relu(h)
    # per-layer prediction heads summed (dropout = identity in eval)
    score = (hidden0 @ Wp0 + bp0) + (h @ Wp1 + bp1)
    # scatter_mean over graph batch ids
    sums = jnp.zeros((G, D_OUT), dtype=score.dtype).at[batch].add(score)
    counts = jnp.zeros((G,), dtype=score.dtype).at[batch].add(1.0)
    return sums / jnp.maximum(counts, 1.0)[:, None]

if __name__ == "__main__":
    import jax
    _d = setup_inputs()
    print(jax.jit(kernel)(*tuple(_d.values())))

</pallas_src>

<mosaic_0001>
#map = affine_map<(d0, d1) -> (0, 0)>
#map1 = affine_map<(d0, d1) -> (0, 0, 0)>
module attributes {stable_mosaic.version = 14 : i64} {
  func.func @_edge_body(%arg0: i32, %arg1: i32, %arg2: memref<10000x128xf32, #tpu.memory_space<hbm>>, %arg3: memref<2560x128xi32, #tpu.memory_space<hbm>>, %arg4: memref<2560x128xi32, #tpu.memory_space<hbm>>, %arg5: memref<2x10240x128xf32, #tpu.memory_space<hbm>>, %arg6: memref<40x128xi32, #tpu.memory_space<vmem>>, %arg7: memref<40x128xi32, #tpu.memory_space<vmem>>, %arg8: memref<128x128xf32, #tpu.memory_space<vmem>>, %arg9: memref<128x128xf32, #tpu.memory_space<vmem>>, %arg10: memref<!tpu.dma_semaphore, #tpu.memory_space<semaphore_mem>>, %arg11: memref<!tpu.dma_semaphore, #tpu.memory_space<semaphore_mem>>, %arg12: memref<10240x128xf32, #tpu.memory_space<vmem_shared>>) attributes {dimension_semantics = [#tpu.dimension_semantics<core_parallel>, #tpu.dimension_semantics<subcore_parallel>], iteration_bounds = array<i64: 2, 16>, scalar_prefetch = 0 : i64, scratch_operands = 7 : i64, tpu.core_type = #tpu.core_type<sc_vector_subcore>, window_params = [{transform_indices = #map}, {transform_indices = #map}, {transform_indices = #map}, {transform_indices = #map1}]} {
    %mul3A = arith.constant 2 : i32
    %mul3A_0 = arith.muli %arg1, %mul3A : i32
    %add3A = arith.addi %mul3A_0, %arg0 : i32
    %broadcast_in_dim3A = arith.constant 0.000000e+00 : f32
    %broadcast_in_dim3A_1 = vector.broadcast %broadcast_in_dim3A : f32 to vector<16xf32>
    %scan3A = arith.constant 0 : i32
    %scan3A_2 = arith.constant 0 : i32
    %scan3A_3 = arith.constant 1024 : i32
    %scan3A_4 = arith.addi %scan3A_2, %scan3A_3 : i32
    %scan3A_5 = arith.constant 1 : i32
    scf.for %scan3A_87 = %scan3A_2 to %scan3A_4 step %scan3A_5  : i32 {
      %jit3A = arith.constant 8 : i32
      %div3A = arith.divsi %scan3A_87, %jit3A : i32
      %sign3A = arith.constant 0 : i32
      %sign3A_88 = arith.cmpi sgt, %scan3A_87, %sign3A : i32
      %sign3A_89 = arith.extui %sign3A_88 : i1 to i32
      %sign3A_90 = arith.constant 0 : i32
      %sign3A_91 = arith.cmpi slt, %scan3A_87, %sign3A_90 : i32
      %sign3A_92 = arith.extui %sign3A_91 : i1 to i32
      %sign3A_93 = arith.subi %sign3A_89, %sign3A_92 : i32
      %sign3A_94 = arith.constant 0 : i32
      %sign3A_95 = arith.cmpi sgt, %jit3A, %sign3A_94 : i32
      %sign3A_96 = arith.extui %sign3A_95 : i1 to i32
      %sign3A_97 = arith.constant 0 : i32
      %sign3A_98 = arith.cmpi slt, %jit3A, %sign3A_97 : i32
      %sign3A_99 = arith.extui %sign3A_98 : i1 to i32
      %sign3A_100 = arith.subi %sign3A_96, %sign3A_99 : i32
      %ne3A = arith.cmpi ne, %sign3A_93, %sign3A_100 : i32
      %rem3A = arith.remsi %scan3A_87, %jit3A : i32
      %ne3A_101 = arith.constant 0 : i32
      %ne3A_102 = arith.cmpi ne, %rem3A, %ne3A_101 : i32
      %and3A = arith.andi %ne3A, %ne3A_102 : i1
      %sub3A = arith.constant 1 : i32
      %sub3A_103 = arith.subi %div3A, %sub3A : i32
      %select_n3A = arith.select %and3A, %sub3A_103, %div3A : i32
      %jit3A_104 = arith.constant 8 : i32
      %eq3A = arith.constant 0 : i32
      %eq3A_105 = arith.cmpi eq, %jit3A_104, %eq3A : i32
      %jit3A_106 = arith.constant 1 : i32
      %select_n3A_107 = arith.select %eq3A_105, %jit3A_106, %jit3A_104 : i32
      %rem3A_108 = arith.remsi %scan3A_87, %select_n3A_107 : i32
      %ne3A_109 = arith.constant 0 : i32
      %ne3A_110 = arith.cmpi ne, %rem3A_108, %ne3A_109 : i32
      %lt3A = arith.constant 0 : i32
      %lt3A_111 = arith.cmpi slt, %rem3A_108, %lt3A : i32
      %lt3A_112 = arith.constant 0 : i32
      %lt3A_113 = arith.cmpi slt, %select_n3A_107, %lt3A_112 : i32
      %ne3A_114 = arith.xori %lt3A_111, %lt3A_113 : i1
      %and3A_115 = arith.andi %ne3A_114, %ne3A_110 : i1
      %add3A_116 = arith.addi %rem3A_108, %select_n3A_107 : i32
      %select_n3A_117 = arith.select %and3A_115, %add3A_116, %rem3A_108 : i32
      %mul3A_118 = arith.constant 16 : i32
      %mul3A_119 = arith.muli %select_n3A_117, %mul3A_118 : i32
      %swap3A = arith.index_cast %select_n3A : i32 to index
      %swap3A_120 = arith.index_cast %mul3A_119 : i32 to index
      %swap3A_121 = tpu.vector_load %arg8[%swap3A, %swap3A_120] {strides = array<i32>} : memref<128x128xf32, #tpu.memory_space<vmem>>, vector<1x16xf32>,
      %swap3A_122 = vector.shape_cast %swap3A_121 : vector<1x16xf32> to vector<16xf32>
      %swap3A_123 = vector.shape_cast %broadcast_in_dim3A_1 : vector<16xf32> to vector<1x16xf32>
      tpu.vector_store %arg8[%swap3A, %swap3A_120], %swap3A_123 {strides = array<i32>} : memref<128x128xf32, #tpu.memory_space<vmem>>, vector<1x16xf32>,
    }
    %scan3A_6 = arith.constant 1024 : i32
    %mul3A_7 = arith.constant 640 : i32
    %mul3A_8 = arith.muli %arg1, %mul3A_7 : i32
    %add3A_9 = arith.constant 0 : i32
    %add3A_10 = arith.addi %mul3A_8, %add3A_9 : i32
    "tpu.region"() ({
      %run_scoped3A = tpu.sem_alloc : memref<!tpu.dma_semaphore, #tpu.memory_space<semaphore_mem>>
      %dma_start3A = arith.constant 0 : i32
      %dma_start3A_87 = tpu.memref_slice %arg12[%add3A_10, %dma_start3A] : memref<10240x128xf32, #tpu.memory_space<vmem_shared>> -> memref<128x128xf32, #tpu.memory_space<vmem_shared>>
      %dma_start3A_88 = arith.constant 0 : i32
      %dma_start3A_89 = tpu.memref_slice %arg12[%add3A_10, %dma_start3A_88] : memref<10240x128xf32, #tpu.memory_space<vmem_shared>> -> memref<128x128xf32, #tpu.memory_space<vmem_shared>>
      tpu.enqueue_dma source(%arg8 : memref<128x128xf32, #tpu.memory_space<vmem>>) target(%dma_start3A_89 : memref<128x128xf32, #tpu.memory_space<vmem_shared>>) target_semaphore(%run_scoped3A : memref<!tpu.dma_semaphore, #tpu.memory_space<semaphore_mem>>)
      %dma_wait3A_90 = arith.constant 0 : i32
      %dma_wait3A_91 = tpu.memref_slice %arg12[%add3A_10, %dma_wait3A_90] : memref<10240x128xf32, #tpu.memory_space<vmem_shared>> -> memref<128x128xf32, #tpu.memory_space<vmem_shared>>
      %dma_wait3A_92 = arith.constant 0 : i32
      %dma_wait3A_93 = tpu.memref_slice %arg12[%add3A_10, %dma_wait3A_92] : memref<10240x128xf32, #tpu.memory_space<vmem_shared>> -> memref<128x128xf32, #tpu.memory_space<vmem_shared>>
      tpu.wait_dma2 semaphore(%run_scoped3A : memref<!tpu.dma_semaphore, #tpu.memory_space<semaphore_mem>>) src(%arg8 : memref<128x128xf32, #tpu.memory_space<vmem>>) dst(%dma_wait3A_93 : memref<128x128xf32, #tpu.memory_space<vmem_shared>>)
      tpu.yield
    }) : () -> ()
    %mul3A_11 = arith.constant 640 : i32
    %mul3A_12 = arith.muli %arg1, %mul3A_11 : i32
    %add3A_13 = arith.constant 128 : i32
    %add3A_14 = arith.addi %mul3A_12, %add3A_13 : i32
    "tpu.region"() ({
      %run_scoped3A = tpu.sem_alloc : memref<!tpu.dma_semaphore, #tpu.memory_space<semaphore_mem>>
      %dma_start3A = arith.constant 0 : i32
      %dma_start3A_87 = tpu.memref_slice %arg12[%add3A_14, %dma_start3A] : memref<10240x128xf32, #tpu.memory_space<vmem_shared>> -> memref<128x128xf32, #tpu.memory_space<vmem_shared>>
      %dma_start3A_88 = arith.constant 0 : i32
      %dma_start3A_89 = tpu.memref_slice %arg12[%add3A_14, %dma_start3A_88] : memref<10240x128xf32, #tpu.memory_space<vmem_shared>> -> memref<128x128xf32, #tpu.memory_space<vmem_shared>>
      tpu.enqueue_dma source(%arg8 : memref<128x128xf32, #tpu.memory_space<vmem>>) target(%dma_start3A_89 : memref<128x128xf32, #tpu.memory_space<vmem_shared>>) target_semaphore(%run_scoped3A : memref<!tpu.dma_semaphore, #tpu.memory_space<semaphore_mem>>)
      %dma_wait3A_90 = arith.constant 0 : i32
      %dma_wait3A_91 = tpu.memref_slice %arg12[%add3A_14, %dma_wait3A_90] : memref<10240x128xf32, #tpu.memory_space<vmem_shared>> -> memref<128x128xf32, #tpu.memory_space<vmem_shared>>
      %dma_wait3A_92 = arith.constant 0 : i32
      %dma_wait3A_93 = tpu.memref_slice %arg12[%add3A_14, %dma_wait3A_92] : memref<10240x128xf32, #tpu.memory_space<vmem_shared>> -> memref<128x128xf32, #tpu.memory_space<vmem_shared>>
      tpu.wait_dma2 semaphore(%run_scoped3A : memref<!tpu.dma_semaphore, #tpu.memory_space<semaphore_mem>>) src(%arg8 : memref<128x128xf32, #tpu.memory_space<vmem>>) dst(%dma_wait3A_93 : memref<128x128xf32, #tpu.memory_space<vmem_shared>>)
      tpu.yield
    }) : () -> ()
    %mul3A_15 = arith.constant 640 : i32
    %mul3A_16 = arith.muli %arg1, %mul3A_15 : i32
    %add3A_17 = arith.constant 256 : i32
    %add3A_18 = arith.addi %mul3A_16, %add3A_17 : i32
    "tpu.region"() ({
      %run_scoped3A = tpu.sem_alloc : memref<!tpu.dma_semaphore, #tpu.memory_space<semaphore_mem>>
      %dma_start3A = arith.constant 0 : i32
      %dma_start3A_87 = tpu.memref_slice %arg12[%add3A_18, %dma_start3A] : memref<10240x128xf32, #tpu.memory_space<vmem_shared>> -> memref<128x128xf32, #tpu.memory_space<vmem_shared>>
      %dma_start3A_88 = arith.constant 0 : i32
      %dma_start3A_89 = tpu.memref_slice %arg12[%add3A_18, %dma_start3A_88] : memref<10240x128xf32, #tpu.memory_space<vmem_shared>> -> memref<128x128xf32, #tpu.memory_space<vmem_shared>>
      tpu.enqueue_dma source(%arg8 : memref<128x128xf32, #tpu.memory_space<vmem>>) target(%dma_start3A_89 : memref<128x128xf32, #tpu.memory_space<vmem_shared>>) target_semaphore(%run_scoped3A : memref<!tpu.dma_semaphore, #tpu.memory_space<semaphore_mem>>)
      %dma_wait3A_90 = arith.constant 0 : i32
      %dma_wait3A_91 = tpu.memref_slice %arg12[%add3A_18, %dma_wait3A_90] : memref<10240x128xf32, #tpu.memory_space<vmem_shared>> -> memref<128x128xf32, #tpu.memory_space<vmem_shared>>
      %dma_wait3A_92 = arith.constant 0 : i32
      %dma_wait3A_93 = tpu.memref_slice %arg12[%add3A_18, %dma_wait3A_92] : memref<10240x128xf32, #tpu.memory_space<vmem_shared>> -> memref<128x128xf32, #tpu.memory_space<vmem_shared>>
      tpu.wait_dma2 semaphore(%run_scoped3A : memref<!tpu.dma_semaphore, #tpu.memory_space<semaphore_mem>>) src(%arg8 : memref<128x128xf32, #tpu.memory_space<vmem>>) dst(%dma_wait3A_93 : memref<128x128xf32, #tpu.memory_space<vmem_shared>>)
      tpu.yield
    }) : () -> ()
    %mul3A_19 = arith.constant 640 : i32
    %mul3A_20 = arith.muli %arg1, %mul3A_19 : i32
    %add3A_21 = arith.constant 384 : i32
    %add3A_22 = arith.addi %mul3A_20, %add3A_21 : i32
    "tpu.region"() ({
      %run_scoped3A = tpu.sem_alloc : memref<!tpu.dma_semaphore, #tpu.memory_space<semaphore_mem>>
      %dma_start3A = arith.constant 0 : i32
      %dma_start3A_87 = tpu.memref_slice %arg12[%add3A_22, %dma_start3A] : memref<10240x128xf32, #tpu.memory_space<vmem_shared>> -> memref<128x128xf32, #tpu.memory_space<vmem_shared>>
      %dma_start3A_88 = arith.constant 0 : i32
      %dma_start3A_89 = tpu.memref_slice %arg12[%add3A_22, %dma_start3A_88] : memref<10240x128xf32, #tpu.memory_space<vmem_shared>> -> memref<128x128xf32, #tpu.memory_space<vmem_shared>>
      tpu.enqueue_dma source(%arg8 : memref<128x128xf32, #tpu.memory_space<vmem>>) target(%dma_start3A_89 : memref<128x128xf32, #tpu.memory_space<vmem_shared>>) target_semaphore(%run_scoped3A : memref<!tpu.dma_semaphore, #tpu.memory_space<semaphore_mem>>)
      %dma_wait3A_90 = arith.constant 0 : i32
      %dma_wait3A_91 = tpu.memref_slice %arg12[%add3A_22, %dma_wait3A_90] : memref<10240x128xf32, #tpu.memory_space<vmem_shared>> -> memref<128x128xf32, #tpu.memory_space<vmem_shared>>
      %dma_wait3A_92 = arith.constant 0 : i32
      %dma_wait3A_93 = tpu.memref_slice %arg12[%add3A_22, %dma_wait3A_92] : memref<10240x128xf32, #tpu.memory_space<vmem_shared>> -> memref<128x128xf32, #tpu.memory_space<vmem_shared>>
      tpu.wait_dma2 semaphore(%run_scoped3A : memref<!tpu.dma_semaphore, #tpu.memory_space<semaphore_mem>>) src(%arg8 : memref<128x128xf32, #tpu.memory_space<vmem>>) dst(%dma_wait3A_93 : memref<128x128xf32, #tpu.memory_space<vmem_shared>>)
      tpu.yield
    }) : () -> ()
    %mul3A_23 = arith.constant 640 : i32
    %mul3A_24 = arith.muli %arg1, %mul3A_23 : i32
    %add3A_25 = arith.constant 512 : i32
    %add3A_26 = arith.addi %mul3A_24, %add3A_25 : i32
    "tpu.region"() ({
      %run_scoped3A = tpu.sem_alloc : memref<!tpu.dma_semaphore, #tpu.memory_space<semaphore_mem>>
      %dma_start3A = arith.constant 0 : i32
      %dma_start3A_87 = tpu.memref_slice %arg12[%add3A_26, %dma_start3A] : memref<10240x128xf32, #tpu.memory_space<vmem_shared>> -> memref<128x128xf32, #tpu.memory_space<vmem_shared>>
      %dma_start3A_88 = arith.constant 0 : i32
      %dma_start3A_89 = tpu.memref_slice %arg12[%add3A_26, %dma_start3A_88] : memref<10240x128xf32, #tpu.memory_space<vmem_shared>> -> memref<128x128xf32, #tpu.memory_space<vmem_shared>>
      tpu.enqueue_dma source(%arg8 : memref<128x128xf32, #tpu.memory_space<vmem>>) target(%dma_start3A_89 : memref<128x128xf32, #tpu.memory_space<vmem_shared>>) target_semaphore(%run_scoped3A : memref<!tpu.dma_semaphore, #tpu.memory_space<semaphore_mem>>)
      %dma_wait3A_90 = arith.constant 0 : i32
      %dma_wait3A_91 = tpu.memref_slice %arg12[%add3A_26, %dma_wait3A_90] : memref<10240x128xf32, #tpu.memory_space<vmem_shared>> -> memref<128x128xf32, #tpu.memory_space<vmem_shared>>
      %dma_wait3A_92 = arith.constant 0 : i32
      %dma_wait3A_93 = tpu.memref_slice %arg12[%add3A_26, %dma_wait3A_92] : memref<10240x128xf32, #tpu.memory_space<vmem_shared>> -> memref<128x128xf32, #tpu.memory_space<vmem_shared>>
      tpu.wait_dma2 semaphore(%run_scoped3A : memref<!tpu.dma_semaphore, #tpu.memory_space<semaphore_mem>>) src(%arg8 : memref<128x128xf32, #tpu.memory_space<vmem>>) dst(%dma_wait3A_93 : memref<128x128xf32, #tpu.memory_space<vmem_shared>>)
      tpu.yield
    }) : () -> ()
    %barrier3A = arith.constant 0 : index
    tpu.barrier barrier_id(%barrier3A)
    %mul3A_27 = arith.constant 80 : i32
    %mul3A_28 = arith.muli %add3A, %mul3A_27 : i32
    %add3A_29 = arith.constant 0 : i32
    %add3A_30 = arith.addi %mul3A_28, %add3A_29 : i32
    "tpu.region"() ({
      %run_scoped3A = tpu.sem_alloc : memref<!tpu.dma_semaphore, #tpu.memory_space<semaphore_mem>>
      %dma_start3A = arith.constant 0 : i32
      %dma_start3A_87 = tpu.memref_slice %arg3[%add3A_30, %dma_start3A] : memref<2560x128xi32, #tpu.memory_space<hbm>> -> memref<40x128xi32, #tpu.memory_space<hbm>>
      %dma_start3A_88 = arith.constant 0 : i32
      %dma_start3A_89 = tpu.memref_slice %arg3[%add3A_30, %dma_start3A_88] : memref<2560x128xi32, #tpu.memory_space<hbm>> -> memref<40x128xi32, #tpu.memory_space<hbm>>
      tpu.enqueue_dma source(%dma_start3A_89 : memref<40x128xi32, #tpu.memory_space<hbm>>) target(%arg6 : memref<40x128xi32, #tpu.memory_space<vmem>>) target_semaphore(%run_scoped3A : memref<!tpu.dma_semaphore, #tpu.memory_space<semaphore_mem>>)
      %dma_wait3A_90 = arith.constant 0 : i32
      %dma_wait3A_91 = tpu.memref_slice %arg3[%add3A_30, %dma_wait3A_90] : memref<2560x128xi32, #tpu.memory_space<hbm>> -> memref<40x128xi32, #tpu.memory_space<hbm>>
      %dma_wait3A_92 = arith.constant 0 : i32
      %dma_wait3A_93 = tpu.memref_slice %arg3[%add3A_30, %dma_wait3A_92] : memref<2560x128xi32, #tpu.memory_space<hbm>> -> memref<40x128xi32, #tpu.memory_space<hbm>>
      tpu.wait_dma2 semaphore(%run_scoped3A : memref<!tpu.dma_semaphore, #tpu.memory_space<semaphore_mem>>) src(%dma_wait3A_93 : memref<40x128xi32, #tpu.memory_space<hbm>>) dst(%arg6 : memref<40x128xi32, #tpu.memory_space<vmem>>)
      tpu.yield
    }) : () -> ()
    %mul3A_31 = arith.constant 80 : i32
    %mul3A_32 = arith.muli %add3A, %mul3A_31 : i32
    %add3A_33 = arith.constant 0 : i32
    %add3A_34 = arith.addi %mul3A_32, %add3A_33 : i32
    "tpu.region"() ({
      %run_scoped3A = tpu.sem_alloc : memref<!tpu.dma_semaphore, #tpu.memory_space<semaphore_mem>>
      %dma_start3A = arith.constant 0 : i32
      %dma_start3A_87 = tpu.memref_slice %arg4[%add3A_34, %dma_start3A] : memref<2560x128xi32, #tpu.memory_space<hbm>> -> memref<40x128xi32, #tpu.memory_space<hbm>>
      %dma_start3A_88 = arith.constant 0 : i32
      %dma_start3A_89 = tpu.memref_slice %arg4[%add3A_34, %dma_start3A_88] : memref<2560x128xi32, #tpu.memory_space<hbm>> -> memref<40x128xi32, #tpu.memory_space<hbm>>
      tpu.enqueue_dma source(%dma_start3A_89 : memref<40x128xi32, #tpu.memory_space<hbm>>) target(%arg7 : memref<40x128xi32, #tpu.memory_space<vmem>>) target_semaphore(%run_scoped3A : memref<!tpu.dma_semaphore, #tpu.memory_space<semaphore_mem>>)
      %dma_wait3A_90 = arith.constant 0 : i32
      %dma_wait3A_91 = tpu.memref_slice %arg4[%add3A_34, %dma_wait3A_90] : memref<2560x128xi32, #tpu.memory_space<hbm>> -> memref<40x128xi32, #tpu.memory_space<hbm>>
      %dma_wait3A_92 = arith.constant 0 : i32
      %dma_wait3A_93 = tpu.memref_slice %arg4[%add3A_34, %dma_wait3A_92] : memref<2560x128xi32, #tpu.memory_space<hbm>> -> memref<40x128xi32, #tpu.memory_space<hbm>>
      tpu.wait_dma2 semaphore(%run_scoped3A : memref<!tpu.dma_semaphore, #tpu.memory_space<semaphore_mem>>) src(%dma_wait3A_93 : memref<40x128xi32, #tpu.memory_space<hbm>>) dst(%arg7 : memref<40x128xi32, #tpu.memory_space<vmem>>)
      tpu.yield
    }) : () -> ()
    %scan3A_35 = arith.constant 0 : i32
    %scan3A_36 = arith.constant 0 : i32
    %scan3A_37 = arith.constant 20 : i32
    %scan3A_38 = arith.addi %scan3A_36, %scan3A_37 : i32
    %scan3A_39 = arith.constant 1 : i32
    scf.for %scan3A_87 = %scan3A_36 to %scan3A_38 step %scan3A_39  : i32 {
      %mul3A_88 = arith.constant 2 : i32
      %mul3A_89 = arith.muli %mul3A_88, %scan3A_87 : i32
      %gt3A = arith.constant 0 : i32
      %gt3A_90 = arith.cmpi sgt, %scan3A_87, %gt3A : i32
      %convert_element_type3A = arith.extui %gt3A_90 : i1 to i32
      %cond3A = arith.constant 0 : i32
      %cond3A_91 = arith.cmpi ne, %convert_element_type3A, %cond3A : i32
      scf.if %cond3A_91 {
        %dma_wait3A_136 = arith.constant 0 : i32
        %dma_wait3A_137 = arith.constant 0 : i32
        %dma_wait3A_138 = tpu.memref_slice %arg7[%dma_wait3A_136, %dma_wait3A_137] : memref<40x128xi32, #tpu.memory_space<vmem>> -> memref<1x128xi32, #tpu.memory_space<vmem>>
        %dma_wait3A_139 = tpu.memref_squeeze %dma_wait3A_138 : memref<1x128xi32, #tpu.memory_space<vmem>> -> memref<128xi32, #tpu.memory_space<vmem>>
        %dma_wait3A_140 = arith.constant 0 : i32
        %dma_wait3A_141 = arith.constant 0 : i32
        %dma_wait3A_142 = tpu.memref_slice %arg12[%dma_wait3A_140, %dma_wait3A_141] : memref<10240x128xf32, #tpu.memory_space<vmem_shared>> -> memref<10240x128xf32, #tpu.memory_space<vmem_shared>>
        tpu.wait_indirect_dma semaphore(%arg11 : memref<!tpu.dma_semaphore, #tpu.memory_space<semaphore_mem>>) src(%arg8 : memref<128x128xf32, #tpu.memory_space<vmem>>) dst(%dma_wait3A_142 : memref<10240x128xf32, #tpu.memory_space<vmem_shared>>)
      } else {
      }
      %dma_start3A = arith.constant 0 : i32
      %dma_start3A_92 = tpu.memref_slice %arg6[%mul3A_89, %dma_start3A] : memref<40x128xi32, #tpu.memory_space<vmem>> -> memref<1x128xi32, #tpu.memory_space<vmem>>
      %dma_start3A_93 = tpu.memref_squeeze %dma_start3A_92 : memref<1x128xi32, #tpu.memory_space<vmem>> -> memref<128xi32, #tpu.memory_space<vmem>>
      %dma_start3A_94 = arith.constant 0 : i32
      %dma_start3A_95 = arith.constant 0 : i32
      %dma_start3A_96 = tpu.memref_slice %arg2[%dma_start3A_94, %dma_start3A_95] : memref<10000x128xf32, #tpu.memory_space<hbm>> -> memref<10000x128xf32, #tpu.memory_space<hbm>>
      tpu.enqueue_indirect_dma source(%dma_start3A_96 : memref<10000x128xf32, #tpu.memory_space<hbm>>) target(%arg8 : memref<128x128xf32, #tpu.memory_space<vmem>>) offsets(%dma_start3A_93 : memref<128xi32, #tpu.memory_space<vmem>>) semaphore(%arg10 : memref<!tpu.dma_semaphore, #tpu.memory_space<semaphore_mem>>)
      %gt3A_97 = arith.constant 0 : i32
      %gt3A_98 = arith.cmpi sgt, %scan3A_87, %gt3A_97 : i32
      %convert_element_type3A_99 = arith.extui %gt3A_98 : i1 to i32
      %cond3A_100 = arith.constant 0 : i32
      %cond3A_101 = arith.cmpi ne, %convert_element_type3A_99, %cond3A_100 : i32
      scf.if %cond3A_101 {
        %dma_wait3A_136 = arith.constant 0 : i32
        %dma_wait3A_137 = arith.constant 0 : i32
        %dma_wait3A_138 = tpu.memref_slice %arg7[%dma_wait3A_136, %dma_wait3A_137] : memref<40x128xi32, #tpu.memory_space<vmem>> -> memref<1x128xi32, #tpu.memory_space<vmem>>
        %dma_wait3A_139 = tpu.memref_squeeze %dma_wait3A_138 : memref<1x128xi32, #tpu.memory_space<vmem>> -> memref<128xi32, #tpu.memory_space<vmem>>
        %dma_wait3A_140 = arith.constant 0 : i32
        %dma_wait3A_141 = arith.constant 0 : i32
        %dma_wait3A_142 = tpu.memref_slice %arg12[%dma_wait3A_140, %dma_wait3A_141] : memref<10240x128xf32, #tpu.memory_space<vmem_shared>> -> memref<10240x128xf32, #tpu.memory_space<vmem_shared>>
        tpu.wait_indirect_dma semaphore(%arg11 : memref<!tpu.dma_semaphore, #tpu.memory_space<semaphore_mem>>) src(%arg9 : memref<128x128xf32, #tpu.memory_space<vmem>>) dst(%dma_wait3A_142 : memref<10240x128xf32, #tpu.memory_space<vmem_shared>>)
      } else {
      }
      %add3A_102 = arith.constant 1 : i32
      %add3A_103 = arith.addi %mul3A_89, %add3A_102 : i32
      %dma_start3A_104 = arith.constant 0 : i32
      %dma_start3A_105 = tpu.memref_slice %arg6[%add3A_103, %dma_start3A_104] : memref<40x128xi32, #tpu.memory_space<vmem>> -> memref<1x128xi32, #tpu.memory_space<vmem>>
      %dma_start3A_106 = tpu.memref_squeeze %dma_start3A_105 : memref<1x128xi32, #tpu.memory_space<vmem>> -> memref<128xi32, #tpu.memory_space<vmem>>
      %dma_start3A_107 = arith.constant 0 : i32
      %dma_start3A_108 = arith.constant 0 : i32
      %dma_start3A_109 = tpu.memref_slice %arg2[%dma_start3A_107, %dma_start3A_108] : memref<10000x128xf32, #tpu.memory_space<hbm>> -> memref<10000x128xf32, #tpu.memory_space<hbm>>
      tpu.enqueue_indirect_dma source(%dma_start3A_109 : memref<10000x128xf32, #tpu.memory_space<hbm>>) target(%arg9 : memref<128x128xf32, #tpu.memory_space<vmem>>) offsets(%dma_start3A_106 : memref<128xi32, #tpu.memory_space<vmem>>) semaphore(%arg10 : memref<!tpu.dma_semaphore, #tpu.memory_space<semaphore_mem>>)
      %dma_wait3A_110 = arith.constant 0 : i32
      %dma_wait3A_111 = tpu.memref_slice %arg6[%mul3A_89, %dma_wait3A_110] : memref<40x128xi32, #tpu.memory_space<vmem>> -> memref<1x128xi32, #tpu.memory_space<vmem>>
      %dma_wait3A_112 = tpu.memref_squeeze %dma_wait3A_111 : memref<1x128xi32, #tpu.memory_space<vmem>> -> memref<128xi32, #tpu.memory_space<vmem>>
      %dma_wait3A_113 = arith.constant 0 : i32
      %dma_wait3A_114 = arith.constant 0 : i32
      %dma_wait3A_115 = tpu.memref_slice %arg2[%dma_wait3A_113, %dma_wait3A_114] : memref<10000x128xf32, #tpu.memory_space<hbm>> -> memref<10000x128xf32, #tpu.memory_space<hbm>>
      tpu.wait_indirect_dma semaphore(%arg10 : memref<!tpu.dma_semaphore, #tpu.memory_space<semaphore_mem>>) src(%dma_wait3A_115 : memref<10000x128xf32, #tpu.memory_space<hbm>>) dst(%arg8 : memref<128x128xf32, #tpu.memory_space<vmem>>)
      %dma_start3A_116 = arith.constant 0 : i32
      %dma_start3A_117 = tpu.memref_slice %arg7[%mul3A_89, %dma_start3A_116] : memref<40x128xi32, #tpu.memory_space<vmem>> -> memref<1x128xi32, #tpu.memory_space<vmem>>
      %dma_start3A_118 = tpu.memref_squeeze %dma_start3A_117 : memref<1x128xi32, #tpu.memory_space<vmem>> -> memref<128xi32, #tpu.memory_space<vmem>>
      %dma_start3A_119 = arith.constant 0 : i32
      %dma_start3A_120 = arith.constant 0 : i32
      %dma_start3A_121 = tpu.memref_slice %arg12[%dma_start3A_119, %dma_start3A_120] : memref<10240x128xf32, #tpu.memory_space<vmem_shared>> -> memref<10240x128xf32, #tpu.memory_space<vmem_shared>>
      tpu.enqueue_indirect_dma source(%arg8 : memref<128x128xf32, #tpu.memory_space<vmem>>) target(%dma_start3A_121 : memref<10240x128xf32, #tpu.memory_space<vmem_shared>>) offsets(%dma_start3A_118 : memref<128xi32, #tpu.memory_space<vmem>>) semaphore(%arg11 : memref<!tpu.dma_semaphore, #tpu.memory_space<semaphore_mem>>) {add = true}
      %dma_wait3A_122 = arith.constant 0 : i32
      %dma_wait3A_123 = tpu.memref_slice %arg6[%add3A_103, %dma_wait3A_122] : memref<40x128xi32, #tpu.memory_space<vmem>> -> memref<1x128xi32, #tpu.memory_space<vmem>>
      %dma_wait3A_124 = tpu.memref_squeeze %dma_wait3A_123 : memref<1x128xi32, #tpu.memory_space<vmem>> -> memref<128xi32, #tpu.memory_space<vmem>>
      %dma_wait3A_125 = arith.constant 0 : i32
      %dma_wait3A_126 = arith.constant 0 : i32
      %dma_wait3A_127 = tpu.memref_slice %arg2[%dma_wait3A_125, %dma_wait3A_126] : memref<10000x128xf32, #tpu.memory_space<hbm>> -> memref<10000x128xf32, #tpu.memory_space<hbm>>
      tpu.wait_indirect_dma semaphore(%arg10 : memref<!tpu.dma_semaphore, #tpu.memory_space<semaphore_mem>>) src(%dma_wait3A_127 : memref<10000x128xf32, #tpu.memory_space<hbm>>) dst(%arg9 : memref<128x128xf32, #tpu.memory_space<vmem>>)
      %add3A_128 = arith.constant 1 : i32
      %add3A_129 = arith.addi %mul3A_89, %add3A_128 : i32
      %dma_start3A_130 = arith.constant 0 : i32
      %dma_start3A_131 = tpu.memref_slice %arg7[%add3A_129, %dma_start3A_130] : memref<40x128xi32, #tpu.memory_space<vmem>> -> memref<1x128xi32, #tpu.memory_space<vmem>>
      %dma_start3A_132 = tpu.memref_squeeze %dma_start3A_131 : memref<1x128xi32, #tpu.memory_space<vmem>> -> memref<128xi32, #tpu.memory_space<vmem>>
      %dma_start3A_133 = arith.constant 0 : i32
      %dma_start3A_134 = arith.constant 0 : i32
      %dma_start3A_135 = tpu.memref_slice %arg12[%dma_start3A_133, %dma_start3A_134] : memref<10240x128xf32, #tpu.memory_space<vmem_shared>> -> memref<10240x128xf32, #tpu.memory_space<vmem_shared>>
      tpu.enqueue_indirect_dma source(%arg9 : memref<128x128xf32, #tpu.memory_space<vmem>>) target(%dma_start3A_135 : memref<10240x128xf32, #tpu.memory_space<vmem_shared>>) offsets(%dma_start3A_132 : memref<128xi32, #tpu.memory_space<vmem>>) semaphore(%arg11 : memref<!tpu.dma_semaphore, #tpu.memory_space<semaphore_mem>>) {add = true}
    }
    %scan3A_40 = arith.constant 20 : i32
    %dma_wait3A = arith.constant 0 : i32
    %dma_wait3A_41 = arith.constant 0 : i32
    %dma_wait3A_42 = tpu.memref_slice %arg7[%dma_wait3A, %dma_wait3A_41] : memref<40x128xi32, #tpu.memory_space<vmem>> -> memref<1x128xi32, #tpu.memory_space<vmem>>
    %dma_wait3A_43 = tpu.memref_squeeze %dma_wait3A_42 : memref<1x128xi32, #tpu.memory_space<vmem>> -> memref<128xi32, #tpu.memory_space<vmem>>
    %dma_wait3A_44 = arith.constant 0 : i32
    %dma_wait3A_45 = arith.constant 0 : i32
    %dma_wait3A_46 = tpu.memref_slice %arg12[%dma_wait3A_44, %dma_wait3A_45] : memref<10240x128xf32, #tpu.memory_space<vmem_shared>> -> memref<10240x128xf32, #tpu.memory_space<vmem_shared>>
    tpu.wait_indirect_dma semaphore(%arg11 : memref<!tpu.dma_semaphore, #tpu.memory_space<semaphore_mem>>) src(%arg8 : memref<128x128xf32, #tpu.memory_space<vmem>>) dst(%dma_wait3A_46 : memref<10240x128xf32, #tpu.memory_space<vmem_shared>>)
    %dma_wait3A_47 = arith.constant 0 : i32
    %dma_wait3A_48 = arith.constant 0 : i32
    %dma_wait3A_49 = tpu.memref_slice %arg7[%dma_wait3A_47, %dma_wait3A_48] : memref<40x128xi32, #tpu.memory_space<vmem>> -> memref<1x128xi32, #tpu.memory_space<vmem>>
    %dma_wait3A_50 = tpu.memref_squeeze %dma_wait3A_49 : memref<1x128xi32, #tpu.memory_space<vmem>> -> memref<128xi32, #tpu.memory_space<vmem>>
    %dma_wait3A_51 = arith.constant 0 : i32
    %dma_wait3A_52 = arith.constant 0 : i32
    %dma_wait3A_53 = tpu.memref_slice %arg12[%dma_wait3A_51, %dma_wait3A_52] : memref<10240x128xf32, #tpu.memory_space<vmem_shared>> -> memref<10240x128xf32, #tpu.memory_space<vmem_shared>>
    tpu.wait_indirect_dma semaphore(%arg11 : memref<!tpu.dma_semaphore, #tpu.memory_space<semaphore_mem>>) src(%arg9 : memref<128x128xf32, #tpu.memory_space<vmem>>) dst(%dma_wait3A_53 : memref<10240x128xf32, #tpu.memory_space<vmem_shared>>)
    %mul3A_54 = arith.constant 80 : i32
    %mul3A_55 = arith.muli %add3A, %mul3A_54 : i32
    %add3A_56 = arith.constant 40 : i32
    %add3A_57 = arith.addi %mul3A_55, %add3A_56 : i32
    "tpu.region"() ({
      %run_scoped3A = tpu.sem_alloc : memref<!tpu.dma_semaphore, #tpu.memory_space<semaphore_mem>>
      %dma_start3A = arith.constant 0 : i32
      %dma_start3A_87 = tpu.memref_slice %arg3[%add3A_57, %dma_start3A] : memref<2560x128xi32, #tpu.memory_space<hbm>> -> memref<40x128xi32, #tpu.memory_space<hbm>>
      %dma_start3A_88 = arith.constant 0 : i32
      %dma_start3A_89 = tpu.memref_slice %arg3[%add3A_57, %dma_start3A_88] : memref<2560x128xi32, #tpu.memory_space<hbm>> -> memref<40x128xi32, #tpu.memory_space<hbm>>
      tpu.enqueue_dma source(%dma_start3A_89 : memref<40x128xi32, #tpu.memory_space<hbm>>) target(%arg6 : memref<40x128xi32, #tpu.memory_space<vmem>>) target_semaphore(%run_scoped3A : memref<!tpu.dma_semaphore, #tpu.memory_space<semaphore_mem>>)
      %dma_wait3A_90 = arith.constant 0 : i32
      %dma_wait3A_91 = tpu.memref_slice %arg3[%add3A_57, %dma_wait3A_90] : memref<2560x128xi32, #tpu.memory_space<hbm>> -> memref<40x128xi32, #tpu.memory_space<hbm>>
      %dma_wait3A_92 = arith.constant 0 : i32
      %dma_wait3A_93 = tpu.memref_slice %arg3[%add3A_57, %dma_wait3A_92] : memref<2560x128xi32, #tpu.memory_space<hbm>> -> memref<40x128xi32, #tpu.memory_space<hbm>>
      tpu.wait_dma2 semaphore(%run_scoped3A : memref<!tpu.dma_semaphore, #tpu.memory_space<semaphore_mem>>) src(%dma_wait3A_93 : memref<40x128xi32, #tpu.memory_space<hbm>>) dst(%arg6 : memref<40x128xi32, #tpu.memory_space<vmem>>)
      tpu.yield
    }) : () -> ()
    %mul3A_58 = arith.constant 80 : i32
    %mul3A_59 = arith.muli %add3A, %mul3A_58 : i32
    %add3A_60 = arith.constant 40 : i32
    %add3A_61 = arith.addi %mul3A_59, %add3A_60 : i32
    "tpu.region"() ({
      %run_scoped3A = tpu.sem_alloc : memref<!tpu.dma_semaphore, #tpu.memory_space<semaphore_mem>>
      %dma_start3A = arith.constant 0 : i32
      %dma_start3A_87 = tpu.memref_slice %arg4[%add3A_61, %dma_start3A] : memref<2560x128xi32, #tpu.memory_space<hbm>> -> memref<40x128xi32, #tpu.memory_space<hbm>>
      %dma_start3A_88 = arith.constant 0 : i32
      %dma_start3A_89 = tpu.memref_slice %arg4[%add3A_61, %dma_start3A_88] : memref<2560x128xi32, #tpu.memory_space<hbm>> -> memref<40x128xi32, #tpu.memory_space<hbm>>
      tpu.enqueue_dma source(%dma_start3A_89 : memref<40x128xi32, #tpu.memory_space<hbm>>) target(%arg7 : memref<40x128xi32, #tpu.memory_space<vmem>>) target_semaphore(%run_scoped3A : memref<!tpu.dma_semaphore, #tpu.memory_space<semaphore_mem>>)
      %dma_wait3A_90 = arith.constant 0 : i32
      %dma_wait3A_91 = tpu.memref_slice %arg4[%add3A_61, %dma_wait3A_90] : memref<2560x128xi32, #tpu.memory_space<hbm>> -> memref<40x128xi32, #tpu.memory_space<hbm>>
      %dma_wait3A_92 = arith.constant 0 : i32
      %dma_wait3A_93 = tpu.memref_slice %arg4[%add3A_61, %dma_wait3A_92] : memref<2560x128xi32, #tpu.memory_space<hbm>> -> memref<40x128xi32, #tpu.memory_space<hbm>>
      tpu.wait_dma2 semaphore(%run_scoped3A : memref<!tpu.dma_semaphore, #tpu.memory_space<semaphore_mem>>) src(%dma_wait3A_93 : memref<40x128xi32, #tpu.memory_space<hbm>>) dst(%arg7 : memref<40x128xi32, #tpu.memory_space<vmem>>)
      tpu.yield
    }) : () -> ()
    %scan3A_62 = arith.constant 0 : i32
    %scan3A_63 = arith.constant 0 : i32
    %scan3A_64 = arith.constant 20 : i32
    %scan3A_65 = arith.addi %scan3A_63, %scan3A_64 : i32
    %scan3A_66 = arith.constant 1 : i32
    scf.for %scan3A_87 = %scan3A_63 to %scan3A_65 step %scan3A_66  : i32 {
      %mul3A_88 = arith.constant 2 : i32
      %mul3A_89 = arith.muli %mul3A_88, %scan3A_87 : i32
      %gt3A = arith.constant 0 : i32
      %gt3A_90 = arith.cmpi sgt, %scan3A_87, %gt3A : i32
      %convert_element_type3A = arith.extui %gt3A_90 : i1 to i32
      %cond3A = arith.constant 0 : i32
      %cond3A_91 = arith.cmpi ne, %convert_element_type3A, %cond3A : i32
      scf.if %cond3A_91 {
        %dma_wait3A_136 = arith.constant 0 : i32
        %dma_wait3A_137 = arith.constant 0 : i32
        %dma_wait3A_138 = tpu.memref_slice %arg7[%dma_wait3A_136, %dma_wait3A_137] : memref<40x128xi32, #tpu.memory_space<vmem>> -> memref<1x128xi32, #tpu.memory_space<vmem>>
        %dma_wait3A_139 = tpu.memref_squeeze %dma_wait3A_138 : memref<1x128xi32, #tpu.memory_space<vmem>> -> memref<128xi32, #tpu.memory_space<vmem>>
        %dma_wait3A_140 = arith.constant 0 : i32
        %dma_wait3A_141 = arith.constant 0 : i32
        %dma_wait3A_142 = tpu.memref_slice %arg12[%dma_wait3A_140, %dma_wait3A_141] : memref<10240x128xf32, #tpu.memory_space<vmem_shared>> -> memref<10240x128xf32, #tpu.memory_space<vmem_shared>>
        tpu.wait_indirect_dma semaphore(%arg11 : memref<!tpu.dma_semaphore, #tpu.memory_space<semaphore_mem>>) src(%arg8 : memref<128x128xf32, #tpu.memory_space<vmem>>) dst(%dma_wait3A_142 : memref<10240x128xf32, #tpu.memory_space<vmem_shared>>)
      } else {
      }
      %dma_start3A = arith.constant 0 : i32
      %dma_start3A_92 = tpu.memref_slice %arg6[%mul3A_89, %dma_start3A] : memref<40x128xi32, #tpu.memory_space<vmem>> -> memref<1x128xi32, #tpu.memory_space<vmem>>
      %dma_start3A_93 = tpu.memref_squeeze %dma_start3A_92 : memref<1x128xi32, #tpu.memory_space<vmem>> -> memref<128xi32, #tpu.memory_space<vmem>>
      %dma_start3A_94 = arith.constant 0 : i32
      %dma_start3A_95 = arith.constant 0 : i32
      %dma_start3A_96 = tpu.memref_slice %arg2[%dma_start3A_94, %dma_start3A_95] : memref<10000x128xf32, #tpu.memory_space<hbm>> -> memref<10000x128xf32, #tpu.memory_space<hbm>>
      tpu.enqueue_indirect_dma source(%dma_start3A_96 : memref<10000x128xf32, #tpu.memory_space<hbm>>) target(%arg8 : memref<128x128xf32, #tpu.memory_space<vmem>>) offsets(%dma_start3A_93 : memref<128xi32, #tpu.memory_space<vmem>>) semaphore(%arg10 : memref<!tpu.dma_semaphore, #tpu.memory_space<semaphore_mem>>)
      %gt3A_97 = arith.constant 0 : i32
      %gt3A_98 = arith.cmpi sgt, %scan3A_87, %gt3A_97 : i32
      %convert_element_type3A_99 = arith.extui %gt3A_98 : i1 to i32
      %cond3A_100 = arith.constant 0 : i32
      %cond3A_101 = arith.cmpi ne, %convert_element_type3A_99, %cond3A_100 : i32
      scf.if %cond3A_101 {
        %dma_wait3A_136 = arith.constant 0 : i32
        %dma_wait3A_137 = arith.constant 0 : i32
        %dma_wait3A_138 = tpu.memref_slice %arg7[%dma_wait3A_136, %dma_wait3A_137] : memref<40x128xi32, #tpu.memory_space<vmem>> -> memref<1x128xi32, #tpu.memory_space<vmem>>
        %dma_wait3A_139 = tpu.memref_squeeze %dma_wait3A_138 : memref<1x128xi32, #tpu.memory_space<vmem>> -> memref<128xi32, #tpu.memory_space<vmem>>
        %dma_wait3A_140 = arith.constant 0 : i32
        %dma_wait3A_141 = arith.constant 0 : i32
        %dma_wait3A_142 = tpu.memref_slice %arg12[%dma_wait3A_140, %dma_wait3A_141] : memref<10240x128xf32, #tpu.memory_space<vmem_shared>> -> memref<10240x128xf32, #tpu.memory_space<vmem_shared>>
        tpu.wait_indirect_dma semaphore(%arg11 : memref<!tpu.dma_semaphore, #tpu.memory_space<semaphore_mem>>) src(%arg9 : memref<128x128xf32, #tpu.memory_space<vmem>>) dst(%dma_wait3A_142 : memref<10240x128xf32, #tpu.memory_space<vmem_shared>>)
      } else {
      }
      %add3A_102 = arith.constant 1 : i32
      %add3A_103 = arith.addi %mul3A_89, %add3A_102 : i32
      %dma_start3A_104 = arith.constant 0 : i32
      %dma_start3A_105 = tpu.memref_slice %arg6[%add3A_103, %dma_start3A_104] : memref<40x128xi32, #tpu.memory_space<vmem>> -> memref<1x128xi32, #tpu.memory_space<vmem>>
      %dma_start3A_106 = tpu.memref_squeeze %dma_start3A_105 : memref<1x128xi32, #tpu.memory_space<vmem>> -> memref<128xi32, #tpu.memory_space<vmem>>
      %dma_start3A_107 = arith.constant 0 : i32
      %dma_start3A_108 = arith.constant 0 : i32
      %dma_start3A_109 = tpu.memref_slice %arg2[%dma_start3A_107, %dma_start3A_108] : memref<10000x128xf32, #tpu.memory_space<hbm>> -> memref<10000x128xf32, #tpu.memory_space<hbm>>
      tpu.enqueue_indirect_dma source(%dma_start3A_109 : memref<10000x128xf32, #tpu.memory_space<hbm>>) target(%arg9 : memref<128x128xf32, #tpu.memory_space<vmem>>) offsets(%dma_start3A_106 : memref<128xi32, #tpu.memory_space<vmem>>) semaphore(%arg10 : memref<!tpu.dma_semaphore, #tpu.memory_space<semaphore_mem>>)
      %dma_wait3A_110 = arith.constant 0 : i32
      %dma_wait3A_111 = tpu.memref_slice %arg6[%mul3A_89, %dma_wait3A_110] : memref<40x128xi32, #tpu.memory_space<vmem>> -> memref<1x128xi32, #tpu.memory_space<vmem>>
      %dma_wait3A_112 = tpu.memref_squeeze %dma_wait3A_111 : memref<1x128xi32, #tpu.memory_space<vmem>> -> memref<128xi32, #tpu.memory_space<vmem>>
      %dma_wait3A_113 = arith.constant 0 : i32
      %dma_wait3A_114 = arith.constant 0 : i32
      %dma_wait3A_115 = tpu.memref_slice %arg2[%dma_wait3A_113, %dma_wait3A_114] : memref<10000x128xf32, #tpu.memory_space<hbm>> -> memref<10000x128xf32, #tpu.memory_space<hbm>>
      tpu.wait_indirect_dma semaphore(%arg10 : memref<!tpu.dma_semaphore, #tpu.memory_space<semaphore_mem>>) src(%dma_wait3A_115 : memref<10000x128xf32, #tpu.memory_space<hbm>>) dst(%arg8 : memref<128x128xf32, #tpu.memory_space<vmem>>)
      %dma_start3A_116 = arith.constant 0 : i32
      %dma_start3A_117 = tpu.memref_slice %arg7[%mul3A_89, %dma_start3A_116] : memref<40x128xi32, #tpu.memory_space<vmem>> -> memref<1x128xi32, #tpu.memory_space<vmem>>
      %dma_start3A_118 = tpu.memref_squeeze %dma_start3A_117 : memref<1x128xi32, #tpu.memory_space<vmem>> -> memref<128xi32, #tpu.memory_space<vmem>>
      %dma_start3A_119 = arith.constant 0 : i32
      %dma_start3A_120 = arith.constant 0 : i32
      %dma_start3A_121 = tpu.memref_slice %arg12[%dma_start3A_119, %dma_start3A_120] : memref<10240x128xf32, #tpu.memory_space<vmem_shared>> -> memref<10240x128xf32, #tpu.memory_space<vmem_shared>>
      tpu.enqueue_indirect_dma source(%arg8 : memref<128x128xf32, #tpu.memory_space<vmem>>) target(%dma_start3A_121 : memref<10240x128xf32, #tpu.memory_space<vmem_shared>>) offsets(%dma_start3A_118 : memref<128xi32, #tpu.memory_space<vmem>>) semaphore(%arg11 : memref<!tpu.dma_semaphore, #tpu.memory_space<semaphore_mem>>) {add = true}
      %dma_wait3A_122 = arith.constant 0 : i32
      %dma_wait3A_123 = tpu.memref_slice %arg6[%add3A_103, %dma_wait3A_122] : memref<40x128xi32, #tpu.memory_space<vmem>> -> memref<1x128xi32, #tpu.memory_space<vmem>>
      %dma_wait3A_124 = tpu.memref_squeeze %dma_wait3A_123 : memref<1x128xi32, #tpu.memory_space<vmem>> -> memref<128xi32, #tpu.memory_space<vmem>>
      %dma_wait3A_125 = arith.constant 0 : i32
      %dma_wait3A_126 = arith.constant 0 : i32
      %dma_wait3A_127 = tpu.memref_slice %arg2[%dma_wait3A_125, %dma_wait3A_126] : memref<10000x128xf32, #tpu.memory_space<hbm>> -> memref<10000x128xf32, #tpu.memory_space<hbm>>
      tpu.wait_indirect_dma semaphore(%arg10 : memref<!tpu.dma_semaphore, #tpu.memory_space<semaphore_mem>>) src(%dma_wait3A_127 : memref<10000x128xf32, #tpu.memory_space<hbm>>) dst(%arg9 : memref<128x128xf32, #tpu.memory_space<vmem>>)
      %add3A_128 = arith.constant 1 : i32
      %add3A_129 = arith.addi %mul3A_89, %add3A_128 : i32
      %dma_start3A_130 = arith.constant 0 : i32
      %dma_start3A_131 = tpu.memref_slice %arg7[%add3A_129, %dma_start3A_130] : memref<40x128xi32, #tpu.memory_space<vmem>> -> memref<1x128xi32, #tpu.memory_space<vmem>>
      %dma_start3A_132 = tpu.memref_squeeze %dma_start3A_131 : memref<1x128xi32, #tpu.memory_space<vmem>> -> memref<128xi32, #tpu.memory_space<vmem>>
      %dma_start3A_133 = arith.constant 0 : i32
      %dma_start3A_134 = arith.constant 0 : i32
      %dma_start3A_135 = tpu.memref_slice %arg12[%dma_start3A_133, %dma_start3A_134] : memref<10240x128xf32, #tpu.memory_space<vmem_shared>> -> memref<10240x128xf32, #tpu.memory_space<vmem_shared>>
      tpu.enqueue_indirect_dma source(%arg9 : memref<128x128xf32, #tpu.memory_space<vmem>>) target(%dma_start3A_135 : memref<10240x128xf32, #tpu.memory_space<vmem_shared>>) offsets(%dma_start3A_132 : memref<128xi32, #tpu.memory_space<vmem>>) semaphore(%arg11 : memref<!tpu.dma_semaphore, #tpu.memory_space<semaphore_mem>>) {add = true}
    }
    %scan3A_67 = arith.constant 20 : i32
    %dma_wait3A_68 = arith.constant 0 : i32
    %dma_wait3A_69 = arith.constant 0 : i32
    %dma_wait3A_70 = tpu.memref_slice %arg7[%dma_wait3A_68, %dma_wait3A_69] : memref<40x128xi32, #tpu.memory_space<vmem>> -> memref<1x128xi32, #tpu.memory_space<vmem>>
    %dma_wait3A_71 = tpu.memref_squeeze %dma_wait3A_70 : memref<1x128xi32, #tpu.memory_space<vmem>> -> memref<128xi32, #tpu.memory_space<vmem>>
    %dma_wait3A_72 = arith.constant 0 : i32
    %dma_wait3A_73 = arith.constant 0 : i32
    %dma_wait3A_74 = tpu.memref_slice %arg12[%dma_wait3A_72, %dma_wait3A_73] : memref<10240x128xf32, #tpu.memory_space<vmem_shared>> -> memref<10240x128xf32, #tpu.memory_space<vmem_shared>>
    tpu.wait_indirect_dma semaphore(%arg11 : memref<!tpu.dma_semaphore, #tpu.memory_space<semaphore_mem>>) src(%arg8 : memref<128x128xf32, #tpu.memory_space<vmem>>) dst(%dma_wait3A_74 : memref<10240x128xf32, #tpu.memory_space<vmem_shared>>)
    %dma_wait3A_75 = arith.constant 0 : i32
    %dma_wait3A_76 = arith.constant 0 : i32
    %dma_wait3A_77 = tpu.memref_slice %arg7[%dma_wait3A_75, %dma_wait3A_76] : memref<40x128xi32, #tpu.memory_space<vmem>> -> memref<1x128xi32, #tpu.memory_space<vmem>>
    %dma_wait3A_78 = tpu.memref_squeeze %dma_wait3A_77 : memref<1x128xi32, #tpu.memory_space<vmem>> -> memref<128xi32, #tpu.memory_space<vmem>>
    %dma_wait3A_79 = arith.constant 0 : i32
    %dma_wait3A_80 = arith.constant 0 : i32
    %dma_wait3A_81 = tpu.memref_slice %arg12[%dma_wait3A_79, %dma_wait3A_80] : memref<10240x128xf32, #tpu.memory_space<vmem_shared>> -> memref<10240x128xf32, #tpu.memory_space<vmem_shared>>
    tpu.wait_indirect_dma semaphore(%arg11 : memref<!tpu.dma_semaphore, #tpu.memory_space<semaphore_mem>>) src(%arg9 : memref<128x128xf32, #tpu.memory_space<vmem>>) dst(%dma_wait3A_81 : memref<10240x128xf32, #tpu.memory_space<vmem_shared>>)
    %barrier3A_82 = arith.constant 0 : index
    tpu.barrier barrier_id(%barrier3A_82)
    %mul3A_83 = arith.constant 640 : i32
    %mul3A_84 = arith.muli %arg1, %mul3A_83 : i32
    %mul3A_85 = arith.constant 640 : i32
    %mul3A_86 = arith.muli %arg1, %mul3A_85 : i32
    "tpu.region"() ({
      %run_scoped3A = tpu.sem_alloc : memref<!tpu.dma_semaphore, #tpu.memory_space<semaphore_mem>>
      %dma_start3A = arith.constant 0 : i32
      %dma_start3A_87 = tpu.memref_slice %arg5[%arg0, %mul3A_86, %dma_start3A] : memref<2x10240x128xf32, #tpu.memory_space<hbm>> -> memref<1x640x128xf32, #tpu.memory_space<hbm>>
      %dma_start3A_88 = tpu.memref_squeeze %dma_start3A_87 : memref<1x640x128xf32, #tpu.memory_space<hbm>> -> memref<640x128xf32, #tpu.memory_space<hbm>>
      %dma_start3A_89 = arith.constant 0 : i32
      %dma_start3A_90 = tpu.memref_slice %arg12[%mul3A_84, %dma_start3A_89] : memref<10240x128xf32, #tpu.memory_space<vmem_shared>> -> memref<640x128xf32, #tpu.memory_space<vmem_shared>>
      tpu.enqueue_dma source(%dma_start3A_90 : memref<640x128xf32, #tpu.memory_space<vmem_shared>>) target(%dma_start3A_88 : memref<640x128xf32, #tpu.memory_space<hbm>>) target_semaphore(%run_scoped3A : memref<!tpu.dma_semaphore, #tpu.memory_space<semaphore_mem>>)
      %dma_wait3A_91 = arith.constant 0 : i32
      %dma_wait3A_92 = tpu.memref_slice %arg5[%arg0, %mul3A_86, %dma_wait3A_91] : memref<2x10240x128xf32, #tpu.memory_space<hbm>> -> memref<1x640x128xf32, #tpu.memory_space<hbm>>
      %dma_wait3A_93 = tpu.memref_squeeze %dma_wait3A_92 : memref<1x640x128xf32, #tpu.memory_space<hbm>> -> memref<640x128xf32, #tpu.memory_space<hbm>>
      %dma_wait3A_94 = arith.constant 0 : i32
      %dma_wait3A_95 = tpu.memref_slice %arg12[%mul3A_84, %dma_wait3A_94] : memref<10240x128xf32, #tpu.memory_space<vmem_shared>> -> memref<640x128xf32, #tpu.memory_space<vmem_shared>>
      tpu.wait_dma2 semaphore(%run_scoped3A : memref<!tpu.dma_semaphore, #tpu.memory_space<semaphore_mem>>) src(%dma_wait3A_95 : memref<640x128xf32, #tpu.memory_space<vmem_shared>>) dst(%dma_wait3A_93 : memref<640x128xf32, #tpu.memory_space<hbm>>)
      tpu.yield
    }) : () -> ()
    return
  }
}

#map = affine_map<(d0, d1) -> (0, 0)>
#map1 = affine_map<(d0, d1) -> (0)>
module attributes {stable_mosaic.version = 14 : i64} {
  func.func @_gather_body(%arg0: i32, %arg1: i32, %arg2: memref<100000x128xf32, #tpu.memory_space<hbm>>, %arg3: memref<10000xi32, #tpu.memory_space<hbm>>, %arg4: memref<10000x128xf32, #tpu.memory_space<hbm>>, %arg5: memref<320xi32, #tpu.memory_space<vmem>>, %arg6: memref<320x128xf32, #tpu.memory_space<vmem>>, %arg7: memref<!tpu.dma_semaphore, #tpu.memory_space<semaphore_mem>>, %arg8: memref<!tpu.dma_semaphore, #tpu.memory_space<semaphore_mem>>) attributes {dimension_semantics = [#tpu.dimension_semantics<core_parallel>, #tpu.dimension_semantics<subcore_parallel>], iteration_bounds = array<i64: 2, 16>, scalar_prefetch = 0 : i64, scratch_operands = 4 : i64, tpu.core_type = #tpu.core_type<sc_vector_subcore>, window_params = [{transform_indices = #map}, {transform_indices = #map1}, {transform_indices = #map}]} {
    %mul3A = arith.constant 2 : i32
    %mul3A_0 = arith.muli %arg1, %mul3A : i32
    %add3A = arith.addi %mul3A_0, %arg0 : i32
    %mul3A_1 = arith.constant 320 : i32
    %mul3A_2 = arith.muli %add3A, %mul3A_1 : i32
    %min3A = arith.constant 9680 : i32
    %min3A_3 = arith.minsi %mul3A_2, %min3A : i32
    "tpu.region"() ({
      %run_scoped3A = tpu.sem_alloc : memref<!tpu.dma_semaphore, #tpu.memory_space<semaphore_mem>>
      %dma_start3A_116 = tpu.memref_slice %arg3[%min3A_3] : memref<10000xi32, #tpu.memory_space<hbm>> -> memref<320xi32, #tpu.memory_space<hbm>>
      %dma_start3A_117 = tpu.memref_slice %arg3[%min3A_3] : memref<10000xi32, #tpu.memory_space<hbm>> -> memref<320xi32, #tpu.memory_space<hbm>>
      tpu.enqueue_dma source(%dma_start3A_117 : memref<320xi32, #tpu.memory_space<hbm>>) target(%arg5 : memref<320xi32, #tpu.memory_space<vmem>>) target_semaphore(%run_scoped3A : memref<!tpu.dma_semaphore, #tpu.memory_space<semaphore_mem>>)
      %dma_wait3A_118 = tpu.memref_slice %arg3[%min3A_3] : memref<10000xi32, #tpu.memory_space<hbm>> -> memref<320xi32, #tpu.memory_space<hbm>>
      %dma_wait3A_119 = tpu.memref_slice %arg3[%min3A_3] : memref<10000xi32, #tpu.memory_space<hbm>> -> memref<320xi32, #tpu.memory_space<hbm>>
      tpu.wait_dma2 semaphore(%run_scoped3A : memref<!tpu.dma_semaphore, #tpu.memory_space<semaphore_mem>>) src(%dma_wait3A_119 : memref<320xi32, #tpu.memory_space<hbm>>) dst(%arg5 : memref<320xi32, #tpu.memory_space<vmem>>)
      tpu.yield
    }) : () -> ()
    %dma_start3A = arith.constant 0 : i32
    %dma_start3A_4 = arith.constant 0 : i32
    %dma_start3A_5 = tpu.memref_slice %arg6[%dma_start3A, %dma_start3A_4] : memref<320x128xf32, #tpu.memory_space<vmem>> -> memref<128x128xf32, #tpu.memory_space<vmem>>
    %dma_start3A_6 = arith.constant 0 : i32
    %dma_start3A_7 = tpu.memref_slice %arg5[%dma_start3A_6] : memref<320xi32, #tpu.memory_space<vmem>> -> memref<128xi32, #tpu.memory_space<vmem>>
    %dma_start3A_8 = arith.constant 0 : i32
    %dma_start3A_9 = arith.constant 0 : i32
    %dma_start3A_10 = tpu.memref_slice %arg2[%dma_start3A_8, %dma_start3A_9] : memref<100000x128xf32, #tpu.memory_space<hbm>> -> memref<100000x128xf32, #tpu.memory_space<hbm>>
    tpu.enqueue_indirect_dma source(%dma_start3A_10 : memref<100000x128xf32, #tpu.memory_space<hbm>>) target(%dma_start3A_5 : memref<128x128xf32, #tpu.memory_space<vmem>>) offsets(%dma_start3A_7 : memref<128xi32, #tpu.memory_space<vmem>>) semaphore(%arg7 : memref<!tpu.dma_semaphore, #tpu.memory_space<semaphore_mem>>)
    %dma_start3A_11 = arith.constant 128 : i32
    %dma_start3A_12 = arith.constant 0 : i32
    %dma_start3A_13 = tpu.memref_slice %arg6[%dma_start3A_11, %dma_start3A_12] : memref<320x128xf32, #tpu.memory_space<vmem>> -> memref<128x128xf32, #tpu.memory_space<vmem>>
    %dma_start3A_14 = arith.constant 128 : i32
    %dma_start3A_15 = tpu.memref_slice %arg5[%dma_start3A_14] : memref<320xi32, #tpu.memory_space<vmem>> -> memref<128xi32, #tpu.memory_space<vmem>>
    %dma_start3A_16 = arith.constant 0 : i32
    %dma_start3A_17 = arith.constant 0 : i32
    %dma_start3A_18 = tpu.memref_slice %arg2[%dma_start3A_16, %dma_start3A_17] : memref<100000x128xf32, #tpu.memory_space<hbm>> -> memref<100000x128xf32, #tpu.memory_space<hbm>>
    tpu.enqueue_indirect_dma source(%dma_start3A_18 : memref<100000x128xf32, #tpu.memory_space<hbm>>) target(%dma_start3A_13 : memref<128x128xf32, #tpu.memory_space<vmem>>) offsets(%dma_start3A_15 : memref<128xi32, #tpu.memory_space<vmem>>) semaphore(%arg7 : memref<!tpu.dma_semaphore, #tpu.memory_space<semaphore_mem>>)
    %dma_start3A_19 = arith.constant 256 : i32
    %dma_start3A_20 = arith.constant 0 : i32
    %dma_start3A_21 = tpu.memref_slice %arg6[%dma_start3A_19, %dma_start3A_20] : memref<320x128xf32, #tpu.memory_space<vmem>> -> memref<64x128xf32, #tpu.memory_space<vmem>>
    %dma_start3A_22 = arith.constant 256 : i32
    %dma_start3A_23 = tpu.memref_slice %arg5[%dma_start3A_22] : memref<320xi32, #tpu.memory_space<vmem>> -> memref<64xi32, #tpu.memory_space<vmem>>
    %dma_start3A_24 = arith.constant 0 : i32
    %dma_start3A_25 = arith.constant 0 : i32
    %dma_start3A_26 = tpu.memref_slice %arg2[%dma_start3A_24, %dma_start3A_25] : memref<100000x128xf32, #tpu.memory_space<hbm>> -> memref<100000x128xf32, #tpu.memory_space<hbm>>
    tpu.enqueue_indirect_dma source(%dma_start3A_26 : memref<100000x128xf32, #tpu.memory_space<hbm>>) target(%dma_start3A_21 : memref<64x128xf32, #tpu.memory_space<vmem>>) offsets(%dma_start3A_23 : memref<64xi32, #tpu.memory_space<vmem>>) semaphore(%arg7 : memref<!tpu.dma_semaphore, #tpu.memory_space<semaphore_mem>>)
    %dma_wait3A = arith.constant 0 : i32
    %dma_wait3A_27 = arith.constant 0 : i32
    %dma_wait3A_28 = tpu.memref_slice %arg6[%dma_wait3A, %dma_wait3A_27] : memref<320x128xf32, #tpu.memory_space<vmem>> -> memref<128x128xf32, #tpu.memory_space<vmem>>
    %dma_wait3A_29 = arith.constant 0 : i32
    %dma_wait3A_30 = tpu.memref_slice %arg5[%dma_wait3A_29] : memref<320xi32, #tpu.memory_space<vmem>> -> memref<128xi32, #tpu.memory_space<vmem>>
    %dma_wait3A_31 = arith.constant 0 : i32
    %dma_wait3A_32 = arith.constant 0 : i32
    %dma_wait3A_33 = tpu.memref_slice %arg2[%dma_wait3A_31, %dma_wait3A_32] : memref<100000x128xf32, #tpu.memory_space<hbm>> -> memref<100000x128xf32, #tpu.memory_space<hbm>>
    tpu.wait_indirect_dma semaphore(%arg7 : memref<!tpu.dma_semaphore, #tpu.memory_space<semaphore_mem>>) src(%dma_wait3A_33 : memref<100000x128xf32, #tpu.memory_space<hbm>>) dst(%dma_wait3A_28 : memref<128x128xf32, #tpu.memory_space<vmem>>)
    %add3A_34 = arith.constant 0 : i32
    %add3A_35 = arith.addi %min3A_3, %add3A_34 : i32
    %dma_start3A_36 = arith.constant 0 : i32
    %dma_start3A_37 = arith.constant 0 : i32
    %dma_start3A_38 = tpu.memref_slice %arg6[%dma_start3A_36, %dma_start3A_37] : memref<320x128xf32, #tpu.memory_space<vmem>> -> memref<128x128xf32, #tpu.memory_space<vmem>>
    %dma_start3A_39 = arith.constant 0 : i32
    %dma_start3A_40 = tpu.memref_slice %arg4[%add3A_35, %dma_start3A_39] : memref<10000x128xf32, #tpu.memory_space<hbm>> -> memref<128x128xf32, #tpu.memory_space<hbm>>
    %dma_start3A_41 = arith.constant 0 : i32
    %dma_start3A_42 = tpu.memref_slice %arg4[%add3A_35, %dma_start3A_41] : memref<10000x128xf32, #tpu.memory_space<hbm>> -> memref<128x128xf32, #tpu.memory_space<hbm>>
    %dma_start3A_43 = arith.constant 0 : i32
    %dma_start3A_44 = arith.constant 0 : i32
    %dma_start3A_45 = tpu.memref_slice %arg6[%dma_start3A_43, %dma_start3A_44] : memref<320x128xf32, #tpu.memory_space<vmem>> -> memref<128x128xf32, #tpu.memory_space<vmem>>
    tpu.enqueue_dma source(%dma_start3A_45 : memref<128x128xf32, #tpu.memory_space<vmem>>) target(%dma_start3A_42 : memref<128x128xf32, #tpu.memory_space<hbm>>) target_semaphore(%arg8 : memref<!tpu.dma_semaphore, #tpu.memory_space<semaphore_mem>>)
    %dma_wait3A_46 = arith.constant 128 : i32
    %dma_wait3A_47 = arith.constant 0 : i32
    %dma_wait3A_48 = tpu.memref_slice %arg6[%dma_wait3A_46, %dma_wait3A_47] : memref<320x128xf32, #tpu.memory_space<vmem>> -> memref<128x128xf32, #tpu.memory_space<vmem>>
    %dma_wait3A_49 = arith.constant 128 : i32
    %dma_wait3A_50 = tpu.memref_slice %arg5[%dma_wait3A_49] : memref<320xi32, #tpu.memory_space<vmem>> -> memref<128xi32, #tpu.memory_space<vmem>>
    %dma_wait3A_51 = arith.constant 0 : i32
    %dma_wait3A_52 = arith.constant 0 : i32
    %dma_wait3A_53 = tpu.memref_slice %arg2[%dma_wait3A_51, %dma_wait3A_52] : memref<100000x128xf32, #tpu.memory_space<hbm>> -> memref<100000x128xf32, #tpu.memory_space<hbm>>
    tpu.wait_indirect_dma semaphore(%arg7 : memref<!tpu.dma_semaphore, #tpu.memory_space<semaphore_mem>>) src(%dma_wait3A_53 : memref<100000x128xf32, #tpu.memory_space<hbm>>) dst(%dma_wait3A_48 : memref<128x128xf32, #tpu.memory_space<vmem>>)
    %add3A_54 = arith.constant 128 : i32
    %add3A_55 = arith.addi %min3A_3, %add3A_54 : i32
    %dma_start3A_56 = arith.constant 128 : i32
    %dma_start3A_57 = arith.constant 0 : i32
    %dma_start3A_58 = tpu.memref_slice %arg6[%dma_start3A_56, %dma_start3A_57] : memref<320x128xf32, #tpu.memory_space<vmem>> -> memref<128x128xf32, #tpu.memory_space<vmem>>
    %dma_start3A_59 = arith.constant 0 : i32
    %dma_start3A_60 = tpu.memref_slice %arg4[%add3A_55, %dma_start3A_59] : memref<10000x128xf32, #tpu.memory_space<hbm>> -> memref<128x128xf32, #tpu.memory_space<hbm>>
    %dma_start3A_61 = arith.constant 0 : i32
    %dma_start3A_62 = tpu.memref_slice %arg4[%add3A_55, %dma_start3A_61] : memref<10000x128xf32, #tpu.memory_space<hbm>> -> memref<128x128xf32, #tpu.memory_space<hbm>>
    %dma_start3A_63 = arith.constant 128 : i32
    %dma_start3A_64 = arith.constant 0 : i32
    %dma_start3A_65 = tpu.memref_slice %arg6[%dma_start3A_63, %dma_start3A_64] : memref<320x128xf32, #tpu.memory_space<vmem>> -> memref<128x128xf32, #tpu.memory_space<vmem>>
    tpu.enqueue_dma source(%dma_start3A_65 : memref<128x128xf32, #tpu.memory_space<vmem>>) target(%dma_start3A_62 : memref<128x128xf32, #tpu.memory_space<hbm>>) target_semaphore(%arg8 : memref<!tpu.dma_semaphore, #tpu.memory_space<semaphore_mem>>)
    %dma_wait3A_66 = arith.constant 256 : i32
    %dma_wait3A_67 = arith.constant 0 : i32
    %dma_wait3A_68 = tpu.memref_slice %arg6[%dma_wait3A_66, %dma_wait3A_67] : memref<320x128xf32, #tpu.memory_space<vmem>> -> memref<64x128xf32, #tpu.memory_space<vmem>>
    %dma_wait3A_69 = arith.constant 256 : i32
    %dma_wait3A_70 = tpu.memref_slice %arg5[%dma_wait3A_69] : memref<320xi32, #tpu.memory_space<vmem>> -> memref<64xi32, #tpu.memory_space<vmem>>
    %dma_wait3A_71 = arith.constant 0 : i32
    %dma_wait3A_72 = arith.constant 0 : i32
    %dma_wait3A_73 = tpu.memref_slice %arg2[%dma_wait3A_71, %dma_wait3A_72] : memref<100000x128xf32, #tpu.memory_space<hbm>> -> memref<100000x128xf32, #tpu.memory_space<hbm>>
    tpu.wait_indirect_dma semaphore(%arg7 : memref<!tpu.dma_semaphore, #tpu.memory_space<semaphore_mem>>) src(%dma_wait3A_73 : memref<100000x128xf32, #tpu.memory_space<hbm>>) dst(%dma_wait3A_68 : memref<64x128xf32, #tpu.memory_space<vmem>>)
    %add3A_74 = arith.constant 256 : i32
    %add3A_75 = arith.addi %min3A_3, %add3A_74 : i32
    %dma_start3A_76 = arith.constant 256 : i32
    %dma_start3A_77 = arith.constant 0 : i32
    %dma_start3A_78 = tpu.memref_slice %arg6[%dma_start3A_76, %dma_start3A_77] : memref<320x128xf32, #tpu.memory_space<vmem>> -> memref<64x128xf32, #tpu.memory_space<vmem>>
    %dma_start3A_79 = arith.constant 0 : i32
    %dma_start3A_80 = tpu.memref_slice %arg4[%add3A_75, %dma_start3A_79] : memref<10000x128xf32, #tpu.memory_space<hbm>> -> memref<64x128xf32, #tpu.memory_space<hbm>>
    %dma_start3A_81 = arith.constant 0 : i32
    %dma_start3A_82 = tpu.memref_slice %arg4[%add3A_75, %dma_start3A_81] : memref<10000x128xf32, #tpu.memory_space<hbm>> -> memref<64x128xf32, #tpu.memory_space<hbm>>
    %dma_start3A_83 = arith.constant 256 : i32
    %dma_start3A_84 = arith.constant 0 : i32
    %dma_start3A_85 = tpu.memref_slice %arg6[%dma_start3A_83, %dma_start3A_84] : memref<320x128xf32, #tpu.memory_space<vmem>> -> memref<64x128xf32, #tpu.memory_space<vmem>>
    tpu.enqueue_dma source(%dma_start3A_85 : memref<64x128xf32, #tpu.memory_space<vmem>>) target(%dma_start3A_82 : memref<64x128xf32, #tpu.memory_space<hbm>>) target_semaphore(%arg8 : memref<!tpu.dma_semaphore, #tpu.memory_space<semaphore_mem>>)
    %dma_wait3A_86 = arith.constant 0 : i32
    %dma_wait3A_87 = arith.constant 0 : i32
    %dma_wait3A_88 = tpu.memref_slice %arg6[%dma_wait3A_86, %dma_wait3A_87] : memref<320x128xf32, #tpu.memory_space<vmem>> -> memref<128x128xf32, #tpu.memory_space<vmem>>
    %dma_wait3A_89 = arith.constant 0 : i32
    %dma_wait3A_90 = tpu.memref_slice %arg4[%add3A_35, %dma_wait3A_89] : memref<10000x128xf32, #tpu.memory_space<hbm>> -> memref<128x128xf32, #tpu.memory_space<hbm>>
    %dma_wait3A_91 = arith.constant 0 : i32
    %dma_wait3A_92 = tpu.memref_slice %arg4[%add3A_35, %dma_wait3A_91] : memref<10000x128xf32, #tpu.memory_space<hbm>> -> memref<128x128xf32, #tpu.memory_space<hbm>>
    %dma_wait3A_93 = arith.constant 0 : i32
    %dma_wait3A_94 = arith.constant 0 : i32
    %dma_wait3A_95 = tpu.memref_slice %arg6[%dma_wait3A_93, %dma_wait3A_94] : memref<320x128xf32, #tpu.memory_space<vmem>> -> memref<128x128xf32, #tpu.memory_space<vmem>>
    tpu.wait_dma2 semaphore(%arg8 : memref<!tpu.dma_semaphore, #tpu.memory_space<semaphore_mem>>) src(%dma_wait3A_95 : memref<128x128xf32, #tpu.memory_space<vmem>>) dst(%dma_wait3A_92 : memref<128x128xf32, #tpu.memory_space<hbm>>)
    %dma_wait3A_96 = arith.constant 128 : i32
    %dma_wait3A_97 = arith.constant 0 : i32
    %dma_wait3A_98 = tpu.memref_slice %arg6[%dma_wait3A_96, %dma_wait3A_97] : memref<320x128xf32, #tpu.memory_space<vmem>> -> memref<128x128xf32, #tpu.memory_space<vmem>>
    %dma_wait3A_99 = arith.constant 0 : i32
    %dma_wait3A_100 = tpu.memref_slice %arg4[%add3A_55, %dma_wait3A_99] : memref<10000x128xf32, #tpu.memory_space<hbm>> -> memref<128x128xf32, #tpu.memory_space<hbm>>
    %dma_wait3A_101 = arith.constant 0 : i32
    %dma_wait3A_102 = tpu.memref_slice %arg4[%add3A_55, %dma_wait3A_101] : memref<10000x128xf32, #tpu.memory_space<hbm>> -> memref<128x128xf32, #tpu.memory_space<hbm>>
    %dma_wait3A_103 = arith.constant 128 : i32
    %dma_wait3A_104 = arith.constant 0 : i32
    %dma_wait3A_105 = tpu.memref_slice %arg6[%dma_wait3A_103, %dma_wait3A_104] : memref<320x128xf32, #tpu.memory_space<vmem>> -> memref<128x128xf32, #tpu.memory_space<vmem>>
    tpu.wait_dma2 semaphore(%arg8 : memref<!tpu.dma_semaphore, #tpu.memory_space<semaphore_mem>>) src(%dma_wait3A_105 : memref<128x128xf32, #tpu.memory_space<vmem>>) dst(%dma_wait3A_102 : memref<128x128xf32, #tpu.memory_space<hbm>>)
    %dma_wait3A_106 = arith.constant 256 : i32
    %dma_wait3A_107 = arith.constant 0 : i32
    %dma_wait3A_108 = tpu.memref_slice %arg6[%dma_wait3A_106, %dma_wait3A_107] : memref<320x128xf32, #tpu.memory_space<vmem>> -> memref<64x128xf32, #tpu.memory_space<vmem>>
    %dma_wait3A_109 = arith.constant 0 : i32
    %dma_wait3A_110 = tpu.memref_slice %arg4[%add3A_75, %dma_wait3A_109] : memref<10000x128xf32, #tpu.memory_space<hbm>> -> memref<64x128xf32, #tpu.memory_space<hbm>>
    %dma_wait3A_111 = arith.constant 0 : i32
    %dma_wait3A_112 = tpu.memref_slice %arg4[%add3A_75, %dma_wait3A_111] : memref<10000x128xf32, #tpu.memory_space<hbm>> -> memref<64x128xf32, #tpu.memory_space<hbm>>
    %dma_wait3A_113 = arith.constant 256 : i32
    %dma_wait3A_114 = arith.constant 0 : i32
    %dma_wait3A_115 = tpu.memref_slice %arg6[%dma_wait3A_113, %dma_wait3A_114] : memref<320x128xf32, #tpu.memory_space<vmem>> -> memref<64x128xf32, #tpu.memory_space<vmem>>
    tpu.wait_dma2 semaphore(%arg8 : memref<!tpu.dma_semaphore, #tpu.memory_space<semaphore_mem>>) src(%dma_wait3A_115 : memref<64x128xf32, #tpu.memory_space<vmem>>) dst(%dma_wait3A_112 : memref<64x128xf32, #tpu.memory_space<hbm>>)
    return
  }
}

module attributes {stable_mosaic.version = 14 : i64} {
  func.func @_mlp_body(%arg0: memref<10000x128xf32, #tpu.memory_space<vmem>>, %arg1: memref<2x10240x128xf32, #tpu.memory_space<vmem>>, %arg2: memref<10000x1xi32, #tpu.memory_space<vmem>>, %arg3: memref<128x256xf32, #tpu.memory_space<vmem>>, %arg4: memref<1x256xf32, #tpu.memory_space<vmem>>, %arg5: memref<1x256xf32, #tpu.memory_space<vmem>>, %arg6: memref<1x256xf32, #tpu.memory_space<vmem>>, %arg7: memref<256x256xf32, #tpu.memory_space<vmem>>, %arg8: memref<1x256xf32, #tpu.memory_space<vmem>>, %arg9: memref<1x256xf32, #tpu.memory_space<vmem>>, %arg10: memref<1x256xf32, #tpu.memory_space<vmem>>, %arg11: memref<128x128xf32, #tpu.memory_space<vmem>>, %arg12: memref<1x128xf32, #tpu.memory_space<vmem>>, %arg13: memref<256x128xf32, #tpu.memory_space<vmem>>, %arg14: memref<1x128xf32, #tpu.memory_space<vmem>>, %arg15: memref<128x128xf32, #tpu.memory_space<vmem>>) attributes {dimension_semantics = [], scalar_prefetch = 0 : i64, scratch_operands = 0 : i64, tpu.core_type = #tpu.core_type<tc>} {
    %get3A = arith.constant 0 : index
    %get3A_0 = arith.constant 0 : index
    %get3A_1 = vector.load %arg0[%get3A, %get3A_0] : memref<10000x128xf32, #tpu.memory_space<vmem>>, vector<10000x128xf32>
    %get3A_2 = arith.constant 0 : index
    %get3A_3 = arith.constant 0 : index
    %get3A_4 = arith.constant 0 : index
    %get3A_5 = vector.load %arg1[%get3A_2, %get3A_3, %get3A_4] : memref<2x10240x128xf32, #tpu.memory_space<vmem>>, vector<1x10000x128xf32>
    %get3A_6 = vector.shape_cast %get3A_5 : vector<1x10000x128xf32> to vector<10000x128xf32>
    %add3A = arith.addf %get3A_1, %get3A_6 : vector<10000x128xf32>
    %get3A_7 = arith.constant 1 : index
    %get3A_8 = arith.constant 0 : index
    %get3A_9 = arith.constant 0 : index
    %get3A_10 = vector.load %arg1[%get3A_7, %get3A_8, %get3A_9] : memref<2x10240x128xf32, #tpu.memory_space<vmem>>, vector<1x10000x128xf32>
    %get3A_11 = vector.shape_cast %get3A_10 : vector<1x10000x128xf32> to vector<10000x128xf32>
    %add3A_12 = arith.addf %add3A, %get3A_11 : vector<10000x128xf32>
    %get3A_13 = arith.constant 0 : index
    %get3A_14 = arith.constant 0 : index
    %get3A_15 = vector.load %arg3[%get3A_13, %get3A_14] : memref<128x256xf32, #tpu.memory_space<vmem>>, vector<128x256xf32>
    %convert_element_type3A = arith.truncf %add3A_12 : vector<10000x128xf32> to vector<10000x128xbf16>
    %convert_element_type3A_16 = arith.truncf %get3A_15 : vector<128x256xf32> to vector<128x256xbf16>
    %dot_general3A = arith.constant dense<0.000000e+00> : vector<10000x256xf32>
    %dot_general3A_17 = tpu.matmul %convert_element_type3A, %convert_element_type3A_16, %dot_general3A {dimension_numbers = #tpu.dot_dimension_numbers<[1], [0], [0], [1], [0, 0, 1, 1], [], []>, transpose_lhs_hint = false} : vector<10000x128xbf16>, vector<128x256xbf16>, vector<10000x256xf32> -> vector<10000x256xf32>
    %get3A_18 = arith.constant 0 : index
    %get3A_19 = arith.constant 0 : index
    %get3A_20 = vector.load %arg4[%get3A_18, %get3A_19] : memref<1x256xf32, #tpu.memory_space<vmem>>, vector<1x256xf32>
    %add3A_21 = vector.broadcast %get3A_20 : vector<1x256xf32> to vector<10000x256xf32>
    %add3A_22 = arith.addf %dot_general3A_17, %add3A_21 : vector<10000x256xf32>
    %get3A_23 = arith.constant 0 : index
    %get3A_24 = arith.constant 0 : index
    %get3A_25 = vector.load %arg5[%get3A_23, %get3A_24] : memref<1x256xf32, #tpu.memory_space<vmem>>, vector<1x256xf32>
    %get3A_26 = arith.constant 0 : index
    %get3A_27 = arith.constant 0 : index
    %get3A_28 = vector.load %arg6[%get3A_26, %get3A_27] : memref<1x256xf32, #tpu.memory_space<vmem>>, vector<1x256xf32>
    %reduce_sum3A = arith.constant dense<0.000000e+00> : vector<256xf32>
    %reduce_sum3A_29 = vector.multi_reduction <add>, %add3A_22, %reduce_sum3A [0] : vector<10000x256xf32> to vector<256xf32>
    %broadcast_in_dim3A = vector.shape_cast %reduce_sum3A_29 : vector<256xf32> to vector<1x256xf32>
    %div3A = arith.constant 1.000000e+04 : f32
    %div3A_30 = vector.broadcast %div3A : f32 to vector<1x256xf32>
    %div3A_31 = arith.divf %broadcast_in_dim3A, %div3A_30 : vector<1x256xf32>
    %sub3A = vector.broadcast %div3A_31 : vector<1x256xf32> to vector<10000x256xf32>
    %sub3A_32 = arith.subf %add3A_22, %sub3A : vector<10000x256xf32>
    %sub3A_33 = vector.broadcast %div3A_31 : vector<1x256xf32> to vector<10000x256xf32>
    %sub3A_34 = arith.subf %add3A_22, %sub3A_33 : vector<10000x256xf32>
    %mul3A = arith.mulf %sub3A_32, %sub3A_34 : vector<10000x256xf32>
    %reduce_sum3A_35 = arith.constant dense<0.000000e+00> : vector<256xf32>
    %reduce_sum3A_36 = vector.multi_reduction <add>, %mul3A, %reduce_sum3A_35 [0] : vector<10000x256xf32> to vector<256xf32>
    %broadcast_in_dim3A_37 = vector.shape_cast %reduce_sum3A_36 : vector<256xf32> to vector<1x256xf32>
    %div3A_38 = arith.constant 1.000000e+04 : f32
    %div3A_39 = vector.broadcast %div3A_38 : f32 to vector<1x256xf32>
    %div3A_40 = arith.divf %broadcast_in_dim3A_37, %div3A_39 : vector<1x256xf32>
    %sub3A_41 = vector.broadcast %div3A_31 : vector<1x256xf32> to vector<10000x256xf32>
    %sub3A_42 = arith.subf %add3A_22, %sub3A_41 : vector<10000x256xf32>
    %add3A_43 = arith.constant 9.99999974E-6 : f32
    %add3A_44 = vector.broadcast %add3A_43 : f32 to vector<1x256xf32>
    %add3A_45 = arith.addf %div3A_40, %add3A_44 : vector<1x256xf32>
    %rsqrt3A = math.rsqrt %add3A_45 : vector<1x256xf32>
    %mul3A_46 = vector.broadcast %rsqrt3A : vector<1x256xf32> to vector<10000x256xf32>
    %mul3A_47 = arith.mulf %sub3A_42, %mul3A_46 : vector<10000x256xf32>
    %mul3A_48 = vector.broadcast %get3A_25 : vector<1x256xf32> to vector<10000x256xf32>
    %mul3A_49 = arith.mulf %mul3A_47, %mul3A_48 : vector<10000x256xf32>
    %add3A_50 = vector.broadcast %get3A_28 : vector<1x256xf32> to vector<10000x256xf32>
    %add3A_51 = arith.addf %mul3A_49, %add3A_50 : vector<10000x256xf32>
    %max3A = arith.constant 0.000000e+00 : f32
    %max3A_52 = vector.broadcast %max3A : f32 to vector<10000x256xf32>
    %max3A_53 = arith.maximumf %add3A_51, %max3A_52 : vector<10000x256xf32>
    %get3A_54 = arith.constant 0 : index
    %get3A_55 = arith.constant 0 : index
    %get3A_56 = vector.load %arg7[%get3A_54, %get3A_55] : memref<256x256xf32, #tpu.memory_space<vmem>>, vector<256x256xf32>
    %convert_element_type3A_57 = arith.truncf %max3A_53 : vector<10000x256xf32> to vector<10000x256xbf16>
    %convert_element_type3A_58 = arith.truncf %get3A_56 : vector<256x256xf32> to vector<256x256xbf16>
    %dot_general3A_59 = arith.constant dense<0.000000e+00> : vector<10000x256xf32>
    %dot_general3A_60 = tpu.matmul %convert_element_type3A_57, %convert_element_type3A_58, %dot_general3A_59 {dimension_numbers = #tpu.dot_dimension_numbers<[1], [0], [0], [1], [0, 0, 1, 1], [], []>, transpose_lhs_hint = false} : vector<10000x256xbf16>, vector<256x256xbf16>, vector<10000x256xf32> -> vector<10000x256xf32>
    %get3A_61 = arith.constant 0 : index
    %get3A_62 = arith.constant 0 : index
    %get3A_63 = vector.load %arg8[%get3A_61, %get3A_62] : memref<1x256xf32, #tpu.memory_space<vmem>>, vector<1x256xf32>
    %add3A_64 = vector.broadcast %get3A_63 : vector<1x256xf32> to vector<10000x256xf32>
    %add3A_65 = arith.addf %dot_general3A_60, %add3A_64 : vector<10000x256xf32>
    %get3A_66 = arith.constant 0 : index
    %get3A_67 = arith.constant 0 : index
    %get3A_68 = vector.load %arg9[%get3A_66, %get3A_67] : memref<1x256xf32, #tpu.memory_space<vmem>>, vector<1x256xf32>
    %get3A_69 = arith.constant 0 : index
    %get3A_70 = arith.constant 0 : index
    %get3A_71 = vector.load %arg10[%get3A_69, %get3A_70] : memref<1x256xf32, #tpu.memory_space<vmem>>, vector<1x256xf32>
    %reduce_sum3A_72 = arith.constant dense<0.000000e+00> : vector<256xf32>
    %reduce_sum3A_73 = vector.multi_reduction <add>, %add3A_65, %reduce_sum3A_72 [0] : vector<10000x256xf32> to vector<256xf32>
    %broadcast_in_dim3A_74 = vector.shape_cast %reduce_sum3A_73 : vector<256xf32> to vector<1x256xf32>
    %div3A_75 = arith.constant 1.000000e+04 : f32
    %div3A_76 = vector.broadcast %div3A_75 : f32 to vector<1x256xf32>
    %div3A_77 = arith.divf %broadcast_in_dim3A_74, %div3A_76 : vector<1x256xf32>
    %sub3A_78 = vector.broadcast %div3A_77 : vector<1x256xf32> to vector<10000x256xf32>
    %sub3A_79 = arith.subf %add3A_65, %sub3A_78 : vector<10000x256xf32>
    %sub3A_80 = vector.broadcast %div3A_77 : vector<1x256xf32> to vector<10000x256xf32>
    %sub3A_81 = arith.subf %add3A_65, %sub3A_80 : vector<10000x256xf32>
    %mul3A_82 = arith.mulf %sub3A_79, %sub3A_81 : vector<10000x256xf32>
    %reduce_sum3A_83 = arith.constant dense<0.000000e+00> : vector<256xf32>
    %reduce_sum3A_84 = vector.multi_reduction <add>, %mul3A_82, %reduce_sum3A_83 [0] : vector<10000x256xf32> to vector<256xf32>
    %broadcast_in_dim3A_85 = vector.shape_cast %reduce_sum3A_84 : vector<256xf32> to vector<1x256xf32>
    %div3A_86 = arith.constant 1.000000e+04 : f32
    %div3A_87 = vector.broadcast %div3A_86 : f32 to vector<1x256xf32>
    %div3A_88 = arith.divf %broadcast_in_dim3A_85, %div3A_87 : vector<1x256xf32>
    %sub3A_89 = vector.broadcast %div3A_77 : vector<1x256xf32> to vector<10000x256xf32>
    %sub3A_90 = arith.subf %add3A_65, %sub3A_89 : vector<10000x256xf32>
    %add3A_91 = arith.constant 9.99999974E-6 : f32
    %add3A_92 = vector.broadcast %add3A_91 : f32 to vector<1x256xf32>
    %add3A_93 = arith.addf %div3A_88, %add3A_92 : vector<1x256xf32>
    %rsqrt3A_94 = math.rsqrt %add3A_93 : vector<1x256xf32>
    %mul3A_95 = vector.broadcast %rsqrt3A_94 : vector<1x256xf32> to vector<10000x256xf32>
    %mul3A_96 = arith.mulf %sub3A_90, %mul3A_95 : vector<10000x256xf32>
    %mul3A_97 = vector.broadcast %get3A_68 : vector<1x256xf32> to vector<10000x256xf32>
    %mul3A_98 = arith.mulf %mul3A_96, %mul3A_97 : vector<10000x256xf32>
    %add3A_99 = vector.broadcast %get3A_71 : vector<1x256xf32> to vector<10000x256xf32>
    %add3A_100 = arith.addf %mul3A_98, %add3A_99 : vector<10000x256xf32>
    %max3A_101 = arith.constant 0.000000e+00 : f32
    %max3A_102 = vector.broadcast %max3A_101 : f32 to vector<10000x256xf32>
    %max3A_103 = arith.maximumf %add3A_100, %max3A_102 : vector<10000x256xf32>
    %get3A_104 = arith.constant 0 : index
    %get3A_105 = arith.constant 0 : index
    %get3A_106 = vector.load %arg11[%get3A_104, %get3A_105] : memref<128x128xf32, #tpu.memory_space<vmem>>, vector<128x128xf32>
    %convert_element_type3A_107 = arith.truncf %get3A_1 : vector<10000x128xf32> to vector<10000x128xbf16>
    %convert_element_type3A_108 = arith.truncf %get3A_106 : vector<128x128xf32> to vector<128x128xbf16>
    %dot_general3A_109 = arith.constant dense<0.000000e+00> : vector<10000x128xf32>
    %dot_general3A_110 = tpu.matmul %convert_element_type3A_107, %convert_element_type3A_108, %dot_general3A_109 {dimension_numbers = #tpu.dot_dimension_numbers<[1], [0], [0], [1], [0, 0, 1, 1], [], []>, transpose_lhs_hint = false} : vector<10000x128xbf16>, vector<128x128xbf16>, vector<10000x128xf32> -> vector<10000x128xf32>
    %get3A_111 = arith.constant 0 : index
    %get3A_112 = arith.constant 0 : index
    %get3A_113 = vector.load %arg12[%get3A_111, %get3A_112] : memref<1x128xf32, #tpu.memory_space<vmem>>, vector<1x128xf32>
    %add3A_114 = vector.broadcast %get3A_113 : vector<1x128xf32> to vector<10000x128xf32>
    %add3A_115 = arith.addf %dot_general3A_110, %add3A_114 : vector<10000x128xf32>
    %get3A_116 = arith.constant 0 : index
    %get3A_117 = arith.constant 0 : index
    %get3A_118 = vector.load %arg13[%get3A_116, %get3A_117] : memref<256x128xf32, #tpu.memory_space<vmem>>, vector<256x128xf32>
    %convert_element_type3A_119 = arith.truncf %max3A_103 : vector<10000x256xf32> to vector<10000x256xbf16>
    %convert_element_type3A_120 = arith.truncf %get3A_118 : vector<256x128xf32> to vector<256x128xbf16>
    %dot_general3A_121 = arith.constant dense<0.000000e+00> : vector<10000x128xf32>
    %dot_general3A_122 = tpu.matmul %convert_element_type3A_119, %convert_element_type3A_120, %dot_general3A_121 {dimension_numbers = #tpu.dot_dimension_numbers<[1], [0], [0], [1], [0, 0, 1, 1], [], []>, transpose_lhs_hint = false} : vector<10000x256xbf16>, vector<256x128xbf16>, vector<10000x128xf32> -> vector<10000x128xf32>
    %add3A_123 = arith.addf %add3A_115, %dot_general3A_122 : vector<10000x128xf32>
    %get3A_124 = arith.constant 0 : index
    %get3A_125 = arith.constant 0 : index
    %get3A_126 = vector.load %arg14[%get3A_124, %get3A_125] : memref<1x128xf32, #tpu.memory_space<vmem>>, vector<1x128xf32>
    %add3A_127 = vector.broadcast %get3A_126 : vector<1x128xf32> to vector<10000x128xf32>
    %add3A_128 = arith.addf %add3A_123, %add3A_127 : vector<10000x128xf32>
    %get3A_129 = arith.constant 0 : index
    %get3A_130 = arith.constant 0 : index
    %get3A_131 = vector.load %arg2[%get3A_129, %get3A_130] : memref<10000x1xi32, #tpu.memory_space<vmem>>, vector<10000x1xi32>
    %iota3A = tpu.iota {dimensions = array<i32: 1>} : vector<10000x128xi32>
    %eq3A = vector.broadcast %get3A_131 : vector<10000x1xi32> to vector<10000x128xi32>
    %eq3A_132 = arith.cmpi eq, %eq3A, %iota3A : vector<10000x128xi32>
    %convert_element_type3A_133 = arith.extui %eq3A_132 : vector<10000x128xi1> to vector<10000x128xi32>
    %convert_element_type3A_134 = arith.sitofp %convert_element_type3A_133 : vector<10000x128xi32> to vector<10000x128xf32>
    %convert_element_type3A_135 = arith.truncf %convert_element_type3A_134 : vector<10000x128xf32> to vector<10000x128xbf16>
    %convert_element_type3A_136 = arith.truncf %add3A_128 : vector<10000x128xf32> to vector<10000x128xbf16>
    %dot_general3A_137 = arith.constant dense<0.000000e+00> : vector<128x128xf32>
    %dot_general3A_138 = tpu.matmul %convert_element_type3A_135, %convert_element_type3A_136, %dot_general3A_137 {dimension_numbers = #tpu.dot_dimension_numbers<[0], [0], [1], [1], [0, 1, 1, 1], [], []>, transpose_lhs_hint = false} : vector<10000x128xbf16>, vector<10000x128xbf16>, vector<128x128xf32> -> vector<128x128xf32>
    %reduce_sum3A_139 = arith.constant dense<0.000000e+00> : vector<128xf32>
    %reduce_sum3A_140 = vector.multi_reduction <add>, %convert_element_type3A_134, %reduce_sum3A_139 [0] : vector<10000x128xf32> to vector<128xf32>
    %max3A_141 = arith.constant 1.000000e+00 : f32
    %max3A_142 = vector.broadcast %max3A_141 : f32 to vector<128xf32>
    %max3A_143 = arith.maximumf %reduce_sum3A_140, %max3A_142 : vector<128xf32>
    %broadcast_in_dim3A_144 = vector.shape_cast %max3A_143 : vector<128xf32> to vector<128x1xf32>
    %div3A_145 = vector.broadcast %broadcast_in_dim3A_144 : vector<128x1xf32> to vector<128x128xf32>
    %div3A_146 = arith.divf %dot_general3A_138, %div3A_145 : vector<128x128xf32>
    %swap3A = arith.constant 0 : index
    %swap3A_147 = arith.constant 0 : index
    %swap3A_148 = vector.load %arg15[%swap3A, %swap3A_147] : memref<128x128xf32, #tpu.memory_space<vmem>>, vector<128x128xf32>
    tpu.vector_store %arg15[%swap3A, %swap3A_147], %div3A_146 {strides = array<i32>} : memref<128x128xf32, #tpu.memory_space<vmem>>, vector<128x128xf32>,
    return
  }
}

</mosaic_0001>

<sc_bundles>
// kernel: kernel.5.cloned.1.call-start
scs
__scs_entry_jumppad:
0x0: {  	(pc) =	sbr.rel $0x88, $3  }
0x1: {  	(tag) =	ssettag $0x0;
	lr =	simm.s32 $0x1  }
0x2: {  	[smem:$0x3F91] =	sst lr;
	_ =	strace $0xD0000000  }
0x3: {  	_ = 	snop  }
0x4: {  	_ = 	snop  }
0x5: {  	_ = 	snop  }
0x6: {  	_ = 	snop  }
0x7: {  	_ = 	snop  }
__scs_overlays_trampoline_lowered:
0x8: {  	[smem:$0x3FA0] =	sst s0  }
0x9: {  	[smem:$0x3FA1] =	sst s1  }
0xa: {  	[smem:$0x3FA2] =	sst s2  }
0xb: {  	[smem:$0x3FA3] =	sst s3  }
0xc: {  	[smem:$0x3FA4] =	sst s4  }
0xd: {  	[smem:$0x3FA5] =	sst s5  }
0xe: {  	[smem:$0x3FA6] =	sst s6  }
0xf: {  	[smem:$0x3FA7] =	sst s7  }
0x10: {  	[smem:$0x3FA8] =	sst s8  }
0x11: {  	[smem:$0x3FA9] =	sst s9;
	s0 =	simm.s32 @!p0 $0x0  }
0x12: {  	s1 =	sld [smem:$0x3F8F];
	s0 =	simm.s32 @p0 $0x1  }
0x13: {  	[smem:$0x3FAA] =	sst s0;
	s0 =	simm.s32 @!p1 $0x0  }
0x14: {  	s2 =	sld [smem:$0x3F8E];
	s0 =	simm.s32 @p1 $0x1  }
0x15: {  	[smem:$0x3FAB] =	sst s0;
	s0 =	simm.s32 @!p2 $0x0  }
0x16: {  	s3 =	sld [smem:$0x3FDB];
	s0 =	simm.s32 @p2 $0x1  }
0x17: {  	s4 =	simm.s32 $0x1BF5;
	[smem:$0x3FAD] =	sst s0  }
0x18: {  	s0 =	sld [smem:$0x3F90];
	_ =	swait.ge [sflag:s4], $0x0  }
0x19: {  	s7 =	sld [smem:$0x3F91]  }
0x1a: {  	s8 =	sadd.s32 $0xFFFFE003, lr  }
0x1b: {  	s9 =	sadd.s32 $0xFFFFFEF7, lr;
	s5 =	simm.s32 $0xFFFFFFFF;
	p2 =	slt.u32 s8, $0xFFFFF086  }
0x1c: {  	p1 =	slt.u32 s9, $0xF7A;
	s5 =	simm.s32 @!p2 $0x0  }
0x1d: {  	s5 =	simm.s32 @p1 $0x1;
	p0 =	seq.s32 s7, s2  }
0x1e: {  	s7 =	smul.u32 @!p0 $0xF7A, s2;
	p2 =	seq.s32 @!p0 s5, $0x0  }
0x1f: {  	s9 =	smul.u32 $0xF7A, s1;
	s8 =	simm.s32 @!p0 $0x1BF5;
	p2 =	por !p2, p0  }
0x20: {  	[sflag:s8] =	ssyncset.s32 @!p0 $0xFFFFF086;
	s6 =	sadd.s32 @!p0 s3, s7;
	s7 =	simm.s32 @!p0 $0x108  }
0x21: {  	s3 =	sadd.s32 s3, s9;
	s6 =	sadd.s32 @!p0 $0x88, s6;
	s7 =	simm.s32 @p2 $0x1082  }
0x22: {  	[simem:s7], [sflag:s8] =	dma.local @!p0 [hbm:s6], $0xF7A  }
0x23: {  	s9 =	sor.u32 $0xD0000000, s2;
	s6 =	simm.s32 $0x108;
	_ =	swait.ge @!p0 [sflag:s8], $0x0  }
0x24: {  	s3 =	sadd.s32 $0x88, s3;
	s6 =	simm.s32 @!p1 $0x1082;
	[sflag:s4] =	ssyncset.s32 $0xFFFFF086  }
0x25: {  	[simem:s6], [sflag:s4] =	dma.local [hbm:s3], $0xF7A  }
0x26: {  	[smem:$0x3F91] =	sst s1;
	(tag) =	ssettag s2;
	_ =	strace s9  }
0x27: {  	s1 =	sld [smem:$0x3FA1]  }
0x28: {  	s2 =	sld [smem:$0x3FA2]  }
0x29: {  	s4 =	sld [smem:$0x3FA4]  }
0x2a: {  	p0 =	seq.s32 s5, $0x0;
	s5 =	sld [smem:$0x3FA5]  }
0x2b: {  	s6 =	sld [smem:$0x3FA6]  }
0x2c: {  	s7 =	sld [smem:$0x3FA7]  }
0x2d: {  	s3 =	simm.s32 $0x108;
	s8 =	sld [smem:$0x3FA8]  }
0x2e: {  	s3 =	simm.s32 @!p0 $0x1082;
	s9 =	sld [smem:$0x3FA9]  }
0x2f: {  	lr =	sadd.s32 s0, s3;
	s0 =	sld [smem:$0x3FA0]  }
0x30: {  	s3 =	sld [smem:$0x3FA3]  }
0x31: {  	[smem:$0x3FAC] =	sst s10  }
0x32: {  	s10 =	sld [smem:$0x3FAA];
	_ =	sdelay $0x3  }
0x33: {  	p0 =	seq.s32 s10, $0x1;
	s10 =	sld [smem:$0x3FAC];
	_ =	sdelay $0x3  }
0x34: {  	[smem:$0x3FAC] =	sst s10  }
0x35: {  	s10 =	sld [smem:$0x3FAB];
	_ =	sdelay $0x3  }
0x36: {  	p1 =	seq.s32 s10, $0x1;
	s10 =	sld [smem:$0x3FAC];
	_ =	sdelay $0x3  }
0x37: {  	[smem:$0x3FAC] =	sst s10  }
0x38: {  	s10 =	sld [smem:$0x3FAD]  }
0x39: {  	_ = 	snop;
	(pc) =	sbr.ind lr, $3  }
0x3a: {  	_ = 	snop  }
0x3b: {  	_ = 	snop  }
0x3c: {  	p2 =	seq.s32 s10, $0x1;
	s10 =	sld [smem:$0x3FAC]  }
0x3d: {  	_ =	shalt  }
0x3e: {  	_ =	shalt  }
0x3f: {  	_ =	shalt  }
0x40: {  	_ =	shalt  }
0x41: {  	_ =	shalt  }
0x42: {  	_ =	shalt  }
0x43: {  	_ =	shalt  }
0x44: {  	_ =	shalt  }
0x45: {  	_ =	shalt  }
0x46: {  	_ =	shalt  }
0x47: {  	_ =	shalt  }
0x48: {  	_ =	shalt  }
0x49: {  	_ =	shalt  }
0x4a: {  	_ =	shalt  }
0x4b: {  	_ =	shalt  }
0x4c: {  	_ =	shalt  }
0x4d: {  	_ =	shalt  }
0x4e: {  	_ =	shalt  }
0x4f: {  	_ =	shalt  }
0x50: {  	_ =	shalt  }
0x51: {  	_ =	shalt  }
0x52: {  	_ =	shalt  }
0x53: {  	_ =	shalt  }
0x54: {  	_ =	shalt  }
0x55: {  	_ =	shalt  }
0x56: {  	_ =	shalt  }
0x57: {  	_ =	shalt  }
0x58: {  	_ =	shalt  }
0x59: {  	_ =	shalt  }
0x5a: {  	_ =	shalt  }
0x5b: {  	_ =	shalt  }
0x5c: {  	_ =	shalt  }
0x5d: {  	_ =	shalt  }
0x5e: {  	_ =	shalt  }
0x5f: {  	_ =	shalt  }
0x60: {  	_ =	shalt  }
0x61: {  	_ =	shalt  }
0x62: {  	_ =	shalt  }
0x63: {  	_ =	shalt  }
0x64: {  	_ =	shalt  }
0x65: {  	_ =	shalt  }
0x66: {  	_ =	shalt  }
0x67: {  	_ =	shalt  }
0x68: {  	_ =	shalt  }
0x69: {  	_ =	shalt  }
0x6a: {  	_ =	shalt  }
0x6b: {  	_ =	shalt  }
0x6c: {  	_ =	shalt  }
0x6d: {  	_ =	shalt  }
0x6e: {  	_ =	shalt  }
0x6f: {  	_ =	shalt  }
0x70: {  	_ =	shalt  }
0x71: {  	_ =	shalt  }
0x72: {  	_ =	shalt  }
0x73: {  	_ =	shalt  }
0x74: {  	_ =	shalt  }
0x75: {  	_ =	shalt  }
0x76: {  	_ =	shalt  }
0x77: {  	_ =	shalt  }
0x78: {  	_ =	shalt  }
0x79: {  	_ =	shalt  }
0x7a: {  	_ =	shalt  }
0x7b: {  	_ =	shalt  }
0x7c: {  	_ =	shalt  }
0x7d: {  	_ =	shalt  }
0x7e: {  	_ =	shalt  }
0x7f: {  	_ =	shalt  }
0x80: {  	_ =	shalt  }
0x81: {  	_ =	shalt  }
0x82: {  	_ =	shalt  }
0x83: {  	_ =	shalt  }
0x84: {  	_ =	shalt  }
0x85: {  	_ =	shalt  }
0x86: {  	_ =	shalt  }
0x87: {  	_ =	shalt  }
.Lfunc_end0:
.L_simem_size_0:
called_computation_lowered:
.L_overlay_start_0:
0x88: {  	s2 =	sld [smem:$0x3FD9]  }
0x89: {  	s3 =	sld [smem:$0x3FFE];
	_ =	sdelay $0x1  }
0x8a: {  	s1 =	srdreg.scid  }
0x8b: {  	s0 =	sand.u32 $0x1, s1  }
0x8c: {  	s17 =	sshll.u32 s0, $0xA;
	s2 =	sadd.s32 s3, s2  }
0x8d: {  	s2 =	sadd.s32 s2, s17  }
0x8e: {  	[smem:$0x3FB8] =	sst s2  }
0x8f: {  	_ = 	snop  }
0x90: {  	s2 =	sld [smem:$0x3FC9]  }
0x91: {  	s18 =	sld [smem:$0x3FC6];
	(tm) =	ssettm $0x1  }
0x92: {  	s4 =	sld [smem:$0x3FFB];
	_ =	sdelay $0x3  }
0x93: {  	_ =	strace s4  }
0x94: {  	s4 =	sld [smem:$0x3FFC];
	_ =	sdelay $0x3  }
0x95: {  	_ =	strace s4  }
0x96: {  	s4 =	sld [smem:$0x3FFD];
	_ =	sdelay $0x3  }
0x97: {  	_ =	strace s4  }
0x98: {  	_ =	strace $0x8FFFFFFF  }
0x99: {  	s19 =	sld [smem:$0x3FDB];
	_ =	sdelay $0x1  }
0x9a: {  	s5 =	simm.s32 $_scs_section_size  }
0x9b: {  	s6 =	simm.s32 $_size__tile_overlayer_lowered;
	s7 =	simm.s32 $_tile_overlayer_lowered  }
0x9c: {  	s22 =	simm.s32 $0x1BFF;
	s21 =	sshll.u32 s7, $0x1;
	s4 =	sadd.s32 s5, s19  }
0x9d: {  	s8 =	simm.s32 $0x0;
	s20 =	sshll.u32 s6, $0x1;
	s6 =	sadd.s32 s21, s4  }
0x9e: {  	[timem:s8], [sflag:s22] =	dma.local [hbm:s6], s20  }
0x9f: {  	_ =	swait.ge [sflag:s22], s20  }
0xa0: {  	s5 =	ssub.s32 $0x0, s20;
	[sflag:s22] =	ssyncset.done $0x0  }
0xa1: {  	[sflag:s22] =	ssyncadd.s32 s5;
	_ =	sdelay $0x1  }
0xa2: {  	s23 =	simm.s32 $0x1B8B  }
0xa3: {  	_ =	swait.ge [sflag:s23], $0x1  }
0xa4: {  	[sflag:s23] =	ssyncset.done $0x0  }
0xa5: {  	s25 =	simm.s32 $0x1B8E;
	s24 =	sld [smem:$0x3FFE];
	[sflag:s23] =	ssyncadd.s32 $0xFFFFFFFF  }
0xa6: {  	s26 =	simm.s32 $execute0_lowered;
	[smem:$0x3FD2] =	sst s25  }
0xa7: {  	s6 =	sshll.u32 s26, $0x1;
	_ =	strace $0x80000046;
	[dreg:$0x1] =	wrdreg $0xFFFFFFFF  }
0xa8: {  	s28 =	simm.s32 $_size_execute0_lowered;
	s4 =	sadd.s32 s4, s6;
	[dreg:$0x0] =	wrdreg $0x0  }
0xa9: {  	s6 =	sshll.u32 s28, $0x1;
	[dreg:$0x2] =	wrdreg s4  }
0xaa: {  	[dreg:$0x3] =	wrdreg s6  }
0xab: {  	[dreg:$0x4] =	wrdreg $0xC0  }
0xac: {  	_ =	task [dreg:s8], $0x5FFFF  }
0xad: {  	[dreg:$0x1] =	wrdreg $0xFFFFFFFF  }
0xae: {  	[dreg:$0x0] =	wrdreg $0x60  }
0xaf: {  	[dreg:$0x2] =	wrdreg s18  }
0xb0: {  	[dreg:$0x3] =	wrdreg s2  }
0xb1: {  	[dreg:$0x4] =	wrdreg s24  }
0xb2: {  	[dreg:$0x5] =	wrdreg $0x9  }
0xb3: {  	_ =	task.clear_ibuf [dreg:s8], $0x6FFFF;
	_ =	strace $0x90000046  }
0xb4: {  	s29 =	simm.s32 $0x9;
	_ =	strace $0x80000048  }
0xb5: {  	_ =	swait.ge [sflag:s29], $0x1  }
0xb6: {  	[sflag:s29] =	ssyncadd.s32 $0xFFFFFFFF  }
0xb7: {  	_ =	strace $0x90000048  }
0xb8: {  	_ =	sfence  }
0xb9: {  	s30 =	sld [smem:$0x0];
	_ =	sdelay $0x2  }
0xba: {  	s31 =	sshll.u32 s1, $0xD;
	s1 =	sshrl.u32 s1, $0x2  }
0xbb: {  	s3 =	sand.u32 $0x4000, s31;
	s1 =	sadd.s32 s1, s30  }
0xbc: {  	s0 =	sor.u32 s3, s0;
	s1 =	sshll.u32 s1, $0x11  }
0xbd: {  	s0 =	sor.u32 s1, s0  }
0xbe: {  	s0 =	sadd.s32 $0x8F2B, s0  }
0xbf: {  	[sflag:s0] =	ssyncadd.remote.s32 $0x1  }
0xc0: {  	_ =	sfence.sel $0xFFFF  }
0xc1: {  	[dreg:$0x0] =	wrdreg $0xFFFFFFFF;
	(pc) =	sbr.abs _section_cstart, $3  }
0xc2: {  	[dreg:$0x1] =	wrdreg $0xFFFFFFFF  }
0xc3: {  	_ =	task.clear_ibuf [dreg:s8], $0x2FFFF;
	_ =	strace $0x9FFFFFFF  }
0xc4: {  	(tm) =	ssettm $0x7FFFFFFF  }
0xc5: {  	_ =	shalt  }
tec
execute0_lowered:
.L_overlay_start_1:
0x0: {  	(tag) =	ssettag $0x1  }
0x1: {  	s1 =	srdreg.scid;
	s0 =	stileid.u32  }
0x2: {  	s17 =	sand.u32 $0x1, s1;
	s31 =	sshll.u32 s0, $0x1  }
0x3: {  	s2 =	rddreg [dreg:$0x0];
	s1 =	sor.u32 s17, s31  }
0x4: {  	s4 =	rddreg [dreg:$0x1];
	s5 =	smul.u32 $0x140, s1  }
0x5: {  	s13 =	rddreg [dreg:$0x2];
	s3 =	simm.s32 $0x0  }
0x6: {  	[smem:$0x7FF] =	sst s3;
	s14 =	smin.u32 s5, $0x25D0  }
0x7: {  	s1 =	rddreg [dreg:$0x3];
	s5 =	sshrl.u32 s14, $0x3  }
0x8: {  	_ =	strace $0x80000047;
	s4 =	sadd.s32 s4, s5;
	s5 =	simm.s32 $0x3  }
0x9: {  	[tilespmem:s3], [sflag:$0x3] =	stream.linear.gather [hbm4b:s4+s3], $0x140, $0x38;
	[tilespmem:$0xA180] =	vst v63  }
0xa: {  	_ =	swait.ge [sflag:s5], $0x140  }
0xb: {  	[sflag:s5] =	ssyncset.done $0x0  }
0xc: {  	s6 =	simm.s32 $0x80;
	s7 =	simm.s32 $0x180;
	[sflag:s5] =	ssyncadd.s32 $0xFFFFFEC0  }
0xd: {  	[tilespmem:s7], [sflag:$0x1] =	stream.indirect.gather [hbm4b:s2+s6], $0x80, s3, s6, $0xb8;
	[tilespmem:$0xA180] =	vst v63  }
0xe: {  	s8 =	simm.s32 $0x4180;
	s9 =	simm.s32 $0x40  }
0xf: {  	[tilespmem:s8], [sflag:$0x1] =	stream.indirect.gather [hbm4b:s2+s6], $0x80, s6, s6, $0xb8;
	[tilespmem:$0xA180] =	vst v63  }
0x10: {  	s10 =	simm.s32 $0x100;
	s11 =	simm.s32 $0x8180;
	s12 =	simm.s32 $0x1  }
0x11: {  	[tilespmem:s11], [sflag:$0x1] =	stream.indirect.gather [hbm4b:s2+s9], $0x80, s10, s9, $0xb8;
	[tilespmem:$0xA180] =	vst v63  }
0x12: {  	s14 =	sshll.u32 s14, $0x4;
	_ =	swait.ge [sflag:s12], $0x4000  }
0x13: {  	s15 =	sadd.s32 s14, s13;
	[sflag:s12] =	ssyncset.done $0x0  }
0x14: {  	s13 =	sadd.s32 $0x2800, s15;
	[sflag:s12] =	ssyncadd.s32 $0xFFFFC000  }
0x15: {  	[hbm4b:s13+s3] =	stream.linear.scatter [tilespmem:s7], [sflag:$0x2], $0x4000, $0x38;
	[tilespmem:$0xA180] =	vst v63  }
0x16: {  	_ =	swait.ge [sflag:s12], $0x4000  }
0x17: {  	[sflag:s12] =	ssyncset.done $0x0  }
0x18: {  	s14 =	sadd.s32 $0x3000, s15;
	[sflag:s12] =	ssyncadd.s32 $0xFFFFC000  }
0x19: {  	[hbm4b:s14+s3] =	stream.linear.scatter [tilespmem:s8], [sflag:$0x2], $0x4000, $0x38;
	[tilespmem:$0xA180] =	vst v63  }
0x1a: {  	s17 =	ssub.s32 $0x2, s17;
	_ =	swait.ge [sflag:s12], $0x2000  }
0x1b: {  	s18 =	sshrl.u32 s17, $0x1;
	[sflag:s12] =	ssyncset.done $0x0  }
0x1c: {  	s16 =	sadd.s32 $0x3800, s15;
	s15 =	simm.s32 $0x2;
	[sflag:s12] =	ssyncadd.s32 $0xFFFFE000  }
0x1d: {  	[hbm4b:s16+s3] =	stream.linear.scatter [tilespmem:s11], [sflag:$0x2], $0x2000, $0x38;
	[tilespmem:$0xA180] =	vst v63  }
0x1e: {  	s17 =	ssub.s32 s17, s18;
	_ =	swait.ge [sflag:s15], $0x4000  }
0x1f: {  	s17 =	smax.u32 s17, $0x1;
	[sflag:s15] =	ssyncset.done $0x0  }
0x20: {  	p0 =	sne.s32 s17, $0x1;
	[sflag:s15] =	ssyncadd.s32 $0xFFFFC000  }
.Ltmp0:
0x21: {  	_ =	swait.ge [sflag:s15], $0x4000;
	(pc) =	sbr.rel @!p0 .LBB2_2-.Ltmp0, $4  }
0x22: {  	[sflag:s15] =	ssyncset.done $0x0  }
0x23: {  	[sflag:s15] =	ssyncadd.s32 $0xFFFFC000  }
0x24: {  	_ =	swait.ge [sflag:s15], $0x2000  }
0x25: {  	s17 =	sadd.s32 $0xFFFFFFFF, s17;
	[sflag:s15] =	ssyncset.done $0x0  }
.LBB2_1:
0x26: {  	p0 =	sne.s32 s17, $0x1;
	s17 =	sadd.s32 $0xFFFFFFFF, s17;
	[sflag:s15] =	ssyncadd.s32 $0xFFFFE000  }
0x27: {  	[tilespmem:s3], [sflag:$0x3] =	stream.linear.gather [hbm4b:s4+s3], $0x140, $0x38;
	[tilespmem:$0xA180] =	vst v63  }
0x28: {  	_ =	swait.ge [sflag:s5], $0x140  }
0x29: {  	[sflag:s5] =	ssyncset.done $0x0  }
0x2a: {  	[sflag:s5] =	ssyncadd.s32 $0xFFFFFEC0  }
0x2b: {  	[tilespmem:s7], [sflag:$0x1] =	stream.indirect.gather [hbm4b:s2+s6], $0x80, s3, s6, $0xb8;
	[tilespmem:$0xA180] =	vst v63  }
0x2c: {  	_ = 	snop  }
0x2d: {  	[tilespmem:s8], [sflag:$0x1] =	stream.indirect.gather [hbm4b:s2+s6], $0x80, s6, s6, $0xb8;
	[tilespmem:$0xA180] =	vst v63  }
0x2e: {  	_ = 	snop  }
0x2f: {  	[tilespmem:s11], [sflag:$0x1] =	stream.indirect.gather [hbm4b:s2+s9], $0x80, s10, s9, $0xb8;
	[tilespmem:$0xA180] =	vst v63  }
0x30: {  	_ =	swait.ge [sflag:s12], $0x4000  }
0x31: {  	[sflag:s12] =	ssyncset.done $0x0  }
0x32: {  	[sflag:s12] =	ssyncadd.s32 $0xFFFFC000  }
0x33: {  	[hbm4b:s13+s3] =	stream.linear.scatter [tilespmem:s7], [sflag:$0x2], $0x4000, $0x38;
	[tilespmem:$0xA180] =	vst v63  }
0x34: {  	_ =	swait.ge [sflag:s12], $0x4000  }
0x35: {  	[sflag:s12] =	ssyncset.done $0x0  }
0x36: {  	[sflag:s12] =	ssyncadd.s32 $0xFFFFC000  }
0x37: {  	[hbm4b:s14+s3] =	stream.linear.scatter [tilespmem:s8], [sflag:$0x2], $0x4000, $0x38;
	[tilespmem:$0xA180] =	vst v63  }
0x38: {  	_ =	swait.ge [sflag:s12], $0x2000  }
0x39: {  	[sflag:s12] =	ssyncset.done $0x0  }
0x3a: {  	[sflag:s12] =	ssyncadd.s32 $0xFFFFE000  }
0x3b: {  	[hbm4b:s16+s3] =	stream.linear.scatter [tilespmem:s11], [sflag:$0x2], $0x2000, $0x38;
	[tilespmem:$0xA180] =	vst v63  }
0x3c: {  	_ =	swait.ge [sflag:s15], $0x4000  }
0x3d: {  	[sflag:s15] =	ssyncset.done $0x0  }
0x3e: {  	[sflag:s15] =	ssyncadd.s32 $0xFFFFC000  }
.Ltmp1:
0x3f: {  	_ =	swait.ge [sflag:s15], $0x4000;
	(pc) =	sbr.rel @p0 .LBB2_1-.Ltmp1, $4  }
0x40: {  	[sflag:s15] =	ssyncset.done $0x0  }
0x41: {  	[sflag:s15] =	ssyncadd.s32 $0xFFFFC000  }
0x42: {  	_ =	swait.ge [sflag:s15], $0x2000  }
0x43: {  	[sflag:s15] =	ssyncset.done $0x0  }
.LBB2_2:
0x44: {  	[sflag:s15] =	ssyncadd.s32 $0xFFFFE000  }
0x45: {  	_ =	sfence.sel $0x180000  }
0x46: {  	[bflag:$0x0] =	sbarrier.arrive $0xFFFF  }
0x47: {  	p0 =	sne.s32 s0, $0x0;
	_ =	strace $0x90000047  }
0x48: {  	s0 =	sadd.s32 @!p0 $0x100000, s1;
	[bflag:$0x2] =	sbarrier.arrive $0xFFFF  }
0x49: {  	[sflag:s0] =	ssyncadd.tile.s32 @!p0 $0x1;
	_ =	shalt  }
.Lfunc_end2:
_tile_overlayer_lowered:
.L_overlay_start_2:
0x4a: {  	(tag) =	ssettag $0x2  }
0x4b: {  	s0 =	rddreg [dreg:$0x0];
	s2 =	stileid.u32  }
0x4c: {  	s1 =	rddreg [dreg:$0x1];
	p0 =	sne.s32 s2, $0x0  }
0x4d: {  	s3 =	rddreg [dreg:$0x2];
	[bflag:$0x3] =	sbarrier.arrive $0xFFFF;
	s2 =	simm.s32 @!p0 $0x1C03  }
0x4e: {  	[timem:s3], [sflag:s2] =	dma.local @!p0 [hbm:s0], s1  }
0x4f: {  	s0 =	simm.s32 @!p0 $0x3  }
0x50: {  	_ =	swait.ge @!p0 [sflag:s0], s1  }
0x51: {  	s1 =	ssub.s32 @!p0 $0x0, s1;
	[sflag:s0] =	ssyncset.done @!p0 $0x0  }
0x52: {  	[sflag:s0] =	ssyncadd.s32 @!p0 s1  }
0x53: {  	[bflag:$0x3] =	sbarrier.arrive $0xFFFF  }
0x54: {  	_ =	shalt  }

// kernel: kernel.8.cloned.1.call-start
scs
__scs_entry_jumppad:
0x0: {  	(pc) =	sbr.rel $0x88, $3  }
0x1: {  	(tag) =	ssettag $0x0;
	lr =	simm.s32 $0x1  }
0x2: {  	[smem:$0x3F91] =	sst lr;
	_ =	strace $0xD0000000  }
0x3: {  	_ = 	snop  }
0x4: {  	_ = 	snop  }
0x5: {  	_ = 	snop  }
0x6: {  	_ = 	snop  }
0x7: {  	_ = 	snop  }
__scs_overlays_trampoline_lowered:
0x8: {  	[smem:$0x3FA0] =	sst s0  }
0x9: {  	[smem:$0x3FA1] =	sst s1  }
0xa: {  	[smem:$0x3FA2] =	sst s2  }
0xb: {  	[smem:$0x3FA3] =	sst s3  }
0xc: {  	[smem:$0x3FA4] =	sst s4  }
0xd: {  	[smem:$0x3FA5] =	sst s5  }
0xe: {  	[smem:$0x3FA6] =	sst s6  }
0xf: {  	[smem:$0x3FA7] =	sst s7  }
0x10: {  	[smem:$0x3FA8] =	sst s8  }
0x11: {  	[smem:$0x3FA9] =	sst s9;
	s0 =	simm.s32 @!p0 $0x0  }
0x12: {  	s1 =	sld [smem:$0x3F8F];
	s0 =	simm.s32 @p0 $0x1  }
0x13: {  	[smem:$0x3FAA] =	sst s0;
	s0 =	simm.s32 @!p1 $0x0  }
0x14: {  	s2 =	sld [smem:$0x3F8E];
	s0 =	simm.s32 @p1 $0x1  }
0x15: {  	[smem:$0x3FAB] =	sst s0;
	s0 =	simm.s32 @!p2 $0x0  }
0x16: {  	s3 =	sld [smem:$0x3FDB];
	s0 =	simm.s32 @p2 $0x1  }
0x17: {  	s4 =	simm.s32 $0x1BF5;
	[smem:$0x3FAD] =	sst s0  }
0x18: {  	s0 =	sld [smem:$0x3F90];
	_ =	swait.ge [sflag:s4], $0x0  }
0x19: {  	s7 =	sld [smem:$0x3F91]  }
0x1a: {  	s8 =	sadd.s32 $0xFFFFE003, lr  }
0x1b: {  	s9 =	sadd.s32 $0xFFFFFEF7, lr;
	s5 =	simm.s32 $0xFFFFFFFF;
	p2 =	slt.u32 s8, $0xFFFFF086  }
0x1c: {  	p1 =	slt.u32 s9, $0xF7A;
	s5 =	simm.s32 @!p2 $0x0  }
0x1d: {  	s5 =	simm.s32 @p1 $0x1;
	p0 =	seq.s32 s7, s2  }
0x1e: {  	s7 =	smul.u32 @!p0 $0xF7A, s2;
	p2 =	seq.s32 @!p0 s5, $0x0  }
0x1f: {  	s9 =	smul.u32 $0xF7A, s1;
	s8 =	simm.s32 @!p0 $0x1BF5;
	p2 =	por !p2, p0  }
0x20: {  	[sflag:s8] =	ssyncset.s32 @!p0 $0xFFFFF086;
	s6 =	sadd.s32 @!p0 s3, s7;
	s7 =	simm.s32 @!p0 $0x108  }
0x21: {  	s3 =	sadd.s32 s3, s9;
	s6 =	sadd.s32 @!p0 $0x88, s6;
	s7 =	simm.s32 @p2 $0x1082  }
0x22: {  	[simem:s7], [sflag:s8] =	dma.local @!p0 [hbm:s6], $0xF7A  }
0x23: {  	s9 =	sor.u32 $0xD0000000, s2;
	s6 =	simm.s32 $0x108;
	_ =	swait.ge @!p0 [sflag:s8], $0x0  }
0x24: {  	s3 =	sadd.s32 $0x88, s3;
	s6 =	simm.s32 @!p1 $0x1082;
	[sflag:s4] =	ssyncset.s32 $0xFFFFF086  }
0x25: {  	[simem:s6], [sflag:s4] =	dma.local [hbm:s3], $0xF7A  }
0x26: {  	[smem:$0x3F91] =	sst s1;
	(tag) =	ssettag s2;
	_ =	strace s9  }
0x27: {  	s1 =	sld [smem:$0x3FA1]  }
0x28: {  	s2 =	sld [smem:$0x3FA2]  }
0x29: {  	s4 =	sld [smem:$0x3FA4]  }
0x2a: {  	p0 =	seq.s32 s5, $0x0;
	s5 =	sld [smem:$0x3FA5]  }
0x2b: {  	s6 =	sld [smem:$0x3FA6]  }
0x2c: {  	s7 =	sld [smem:$0x3FA7]  }
0x2d: {  	s3 =	simm.s32 $0x108;
	s8 =	sld [smem:$0x3FA8]  }
0x2e: {  	s3 =	simm.s32 @!p0 $0x1082;
	s9 =	sld [smem:$0x3FA9]  }
0x2f: {  	lr =	sadd.s32 s0, s3;
	s0 =	sld [smem:$0x3FA0]  }
0x30: {  	s3 =	sld [smem:$0x3FA3]  }
0x31: {  	[smem:$0x3FAC] =	sst s10  }
0x32: {  	s10 =	sld [smem:$0x3FAA];
	_ =	sdelay $0x3  }
0x33: {  	p0 =	seq.s32 s10, $0x1;
	s10 =	sld [smem:$0x3FAC];
	_ =	sdelay $0x3  }
0x34: {  	[smem:$0x3FAC] =	sst s10  }
0x35: {  	s10 =	sld [smem:$0x3FAB];
	_ =	sdelay $0x3  }
0x36: {  	p1 =	seq.s32 s10, $0x1;
	s10 =	sld [smem:$0x3FAC];
	_ =	sdelay $0x3  }
0x37: {  	[smem:$0x3FAC] =	sst s10  }
0x38: {  	s10 =	sld [smem:$0x3FAD]  }
0x39: {  	_ = 	snop;
	(pc) =	sbr.ind lr, $3  }
0x3a: {  	_ = 	snop  }
0x3b: {  	_ = 	snop  }
0x3c: {  	p2 =	seq.s32 s10, $0x1;
	s10 =	sld [smem:$0x3FAC]  }
0x3d: {  	_ =	shalt  }
0x3e: {  	_ =	shalt  }
0x3f: {  	_ =	shalt  }
0x40: {  	_ =	shalt  }
0x41: {  	_ =	shalt  }
0x42: {  	_ =	shalt  }
0x43: {  	_ =	shalt  }
0x44: {  	_ =	shalt  }
0x45: {  	_ =	shalt  }
0x46: {  	_ =	shalt  }
0x47: {  	_ =	shalt  }
0x48: {  	_ =	shalt  }
0x49: {  	_ =	shalt  }
0x4a: {  	_ =	shalt  }
0x4b: {  	_ =	shalt  }
0x4c: {  	_ =	shalt  }
0x4d: {  	_ =	shalt  }
0x4e: {  	_ =	shalt  }
0x4f: {  	_ =	shalt  }
0x50: {  	_ =	shalt  }
0x51: {  	_ =	shalt  }
0x52: {  	_ =	shalt  }
0x53: {  	_ =	shalt  }
0x54: {  	_ =	shalt  }
0x55: {  	_ =	shalt  }
0x56: {  	_ =	shalt  }
0x57: {  	_ =	shalt  }
0x58: {  	_ =	shalt  }
0x59: {  	_ =	shalt  }
0x5a: {  	_ =	shalt  }
0x5b: {  	_ =	shalt  }
0x5c: {  	_ =	shalt  }
0x5d: {  	_ =	shalt  }
0x5e: {  	_ =	shalt  }
0x5f: {  	_ =	shalt  }
0x60: {  	_ =	shalt  }
0x61: {  	_ =	shalt  }
0x62: {  	_ =	shalt  }
0x63: {  	_ =	shalt  }
0x64: {  	_ =	shalt  }
0x65: {  	_ =	shalt  }
0x66: {  	_ =	shalt  }
0x67: {  	_ =	shalt  }
0x68: {  	_ =	shalt  }
0x69: {  	_ =	shalt  }
0x6a: {  	_ =	shalt  }
0x6b: {  	_ =	shalt  }
0x6c: {  	_ =	shalt  }
0x6d: {  	_ =	shalt  }
0x6e: {  	_ =	shalt  }
0x6f: {  	_ =	shalt  }
0x70: {  	_ =	shalt  }
0x71: {  	_ =	shalt  }
0x72: {  	_ =	shalt  }
0x73: {  	_ =	shalt  }
0x74: {  	_ =	shalt  }
0x75: {  	_ =	shalt  }
0x76: {  	_ =	shalt  }
0x77: {  	_ =	shalt  }
0x78: {  	_ =	shalt  }
0x79: {  	_ =	shalt  }
0x7a: {  	_ =	shalt  }
0x7b: {  	_ =	shalt  }
0x7c: {  	_ =	shalt  }
0x7d: {  	_ =	shalt  }
0x7e: {  	_ =	shalt  }
0x7f: {  	_ =	shalt  }
0x80: {  	_ =	shalt  }
0x81: {  	_ =	shalt  }
0x82: {  	_ =	shalt  }
0x83: {  	_ =	shalt  }
0x84: {  	_ =	shalt  }
0x85: {  	_ =	shalt  }
0x86: {  	_ =	shalt  }
0x87: {  	_ =	shalt  }
.Lfunc_end0:
.L_simem_size_0:
called_computation.1_lowered:
.L_overlay_start_0:
0x88: {  	s2 =	sld [smem:$0x3FD9]  }
0x89: {  	s3 =	sld [smem:$0x3FFE];
	_ =	sdelay $0x1  }
0x8a: {  	s1 =	srdreg.scid  }
0x8b: {  	s0 =	sand.u32 $0x1, s1  }
0x8c: {  	s16 =	sshll.u32 s0, $0xA;
	s2 =	sadd.s32 s3, s2  }
0x8d: {  	s2 =	sadd.s32 s2, s16  }
0x8e: {  	[smem:$0x3FB8] =	sst s2  }
0x8f: {  	_ = 	snop  }
0x90: {  	(tm) =	ssettm $0x1  }
0x91: {  	s17 =	sld [smem:$0x3FFB];
	_ =	sdelay $0x3  }
0x92: {  	_ =	strace s17  }
0x93: {  	s2 =	sld [smem:$0x3FFC];
	_ =	sdelay $0x3  }
0x94: {  	_ =	strace s2  }
0x95: {  	s2 =	sld [smem:$0x3FFD];
	_ =	sdelay $0x3  }
0x96: {  	_ =	strace s2  }
0x97: {  	_ =	strace $0x8FFFFFFF  }
0x98: {  	s18 =	sld [smem:$0x3FDB];
	_ =	sdelay $0x1  }
0x99: {  	s19 =	simm.s32 $_scs_section_size  }
0x9a: {  	s4 =	simm.s32 $_size__tile_overlayer_lowered;
	s5 =	simm.s32 $_tile_overlayer_lowered  }
0x9b: {  	s22 =	simm.s32 $0x1BFF;
	s21 =	sshll.u32 s5, $0x1;
	s2 =	sadd.s32 s19, s18  }
0x9c: {  	s6 =	simm.s32 $0x0;
	s20 =	sshll.u32 s4, $0x1;
	s4 =	sadd.s32 s21, s2  }
0x9d: {  	[timem:s6], [sflag:s22] =	dma.local [hbm:s4], s20  }
0x9e: {  	_ =	swait.ge [sflag:s22], s20  }
0x9f: {  	s3 =	ssub.s32 $0x0, s20;
	[sflag:s22] =	ssyncset.done $0x0  }
0xa0: {  	[sflag:s22] =	ssyncadd.s32 s3;
	_ =	sdelay $0x1  }
0xa1: {  	s23 =	simm.s32 $0x1B8B  }
0xa2: {  	_ =	swait.ge [sflag:s23], $0x1  }
0xa3: {  	[sflag:s23] =	ssyncset.done $0x0  }
0xa4: {  	s25 =	simm.s32 $0x1B8E;
	s24 =	sld [smem:$0x3FFE];
	[sflag:s23] =	ssyncadd.s32 $0xFFFFFFFF  }
0xa5: {  	s26 =	simm.s32 $execute0_lowered;
	[smem:$0x3FD2] =	sst s25  }
0xa6: {  	s4 =	sshll.u32 s26, $0x1;
	_ =	strace $0x80000049;
	[dreg:$0x1] =	wrdreg $0xFFFFFFFF  }
0xa7: {  	s28 =	simm.s32 $_size_execute0_lowered;
	s2 =	sadd.s32 s2, s4;
	[dreg:$0x0] =	wrdreg $0x0  }
0xa8: {  	s4 =	sshll.u32 s28, $0x1;
	[dreg:$0x2] =	wrdreg s2  }
0xa9: {  	[dreg:$0x3] =	wrdreg s4  }
0xaa: {  	[dreg:$0x4] =	wrdreg $0xC0  }
0xab: {  	_ =	task [dreg:s6], $0x5FFFF  }
0xac: {  	[dreg:$0x1] =	wrdreg $0xFFFFFFFF  }
0xad: {  	[dreg:$0x0] =	wrdreg $0x60  }
0xae: {  	[dreg:$0x2] =	wrdreg s24  }
0xaf: {  	[dreg:$0x3] =	wrdreg $0xA8000  }
0xb0: {  	[dreg:$0x4] =	wrdreg $0x9  }
0xb1: {  	_ =	task.clear_ibuf [dreg:s6], $0x5FFFF;
	_ =	strace $0x90000049  }
0xb2: {  	s29 =	simm.s32 $0x9;
	_ =	strace $0x8000004B  }
0xb3: {  	_ =	swait.ge [sflag:s29], $0x1  }
0xb4: {  	[sflag:s29] =	ssyncadd.s32 $0xFFFFFFFF  }
0xb5: {  	_ =	strace $0x9000004B  }
0xb6: {  	_ =	sfence  }
0xb7: {  	s30 =	sld [smem:$0x0];
	_ =	sdelay $0x2  }
0xb8: {  	s31 =	sshll.u32 s1, $0xD;
	s1 =	sshrl.u32 s1, $0x2  }
0xb9: {  	s3 =	sand.u32 $0x4000, s31;
	s1 =	sadd.s32 s1, s30  }
0xba: {  	s0 =	sor.u32 s3, s0;
	s1 =	sshll.u32 s1, $0x11  }
0xbb: {  	s0 =	sor.u32 s1, s0  }
0xbc: {  	s0 =	sadd.s32 $0x8F2B, s0  }
0xbd: {  	[sflag:s0] =	ssyncadd.remote.s32 $0x1  }
0xbe: {  	_ =	sfence.sel $0xFFFF  }
0xbf: {  	[dreg:$0x0] =	wrdreg $0xFFFFFFFF;
	(pc) =	sbr.abs _section_cstart, $3  }
0xc0: {  	[dreg:$0x1] =	wrdreg $0xFFFFFFFF  }
0xc1: {  	_ =	task.clear_ibuf [dreg:s6], $0x2FFFF;
	_ =	strace $0x9FFFFFFF  }
0xc2: {  	(tm) =	ssettm $0x7FFFFFFF  }
0xc3: {  	_ =	shalt  }
tec
execute0_lowered:
.L_overlay_start_1:
0x0: {  	(tag) =	ssettag $0x1  }
0x1: {  	s6 =	rddreg [dreg:$0x0]  }
0x2: {  	s1 =	rddreg [dreg:$0x1];
	s2 =	srdreg.scid  }
0x3: {  	s0 =	rddreg [dreg:$0x2];
	s3 =	simm.s32 $0x0;
	s18 =	simm.s32 $0x1400  }
0x4: {  	s19 =	simm.s32 $0x80;
	s20 =	simm.s32 $0x6800;
	s21 =	simm.s32 $0x1  }
0x5: {  	s22 =	simm.s32 $0x1480;
	s23 =	simm.s32 $0x2;
	s24 =	simm.s32 $0x0  }
0x6: {  	s5 =	sand.u32 $0x1, s2;
	s2 =	stileid.u32;
	[smem:$0x7FF] =	sst s3  }
0x7: {  	s4 =	sadd.s32 $0x2800, s6;
	s12 =	sadd.s32 $0x29A00, s6;
	s7 =	smul.u32 $0x140000, s5  }
0x8: {  	s13 =	sadd.s32 $0x33A00, s6;
	s8 =	smul.u32 $0x14000, s2;
	_ =	strace $0x8000004A  }
0x9: {  	s28 =	smul.u32 $0x50000, s2;
	s9 =	sshll.u32 s2, $0x1;
	s10 =	ssub.s32 $0x2, s5  }
0xa: {  	s9 =	sor.u32 s5, s9;
	s30 =	sshrl.u32 s10, $0x1;
	s7 =	sadd.s32 s8, s7  }
0xb: {  	s29 =	sshrl.u32 s28, $0x2;
	s11 =	smul.u32 $0x2800, s9;
	s15 =	ssub.s32 s10, s30  }
0xc: {  	s16 =	smul.u32 $0x500, s9;
	s7 =	sshrl.u32 s7, $0x3;
	s5 =	sadd.s32 s29, s1  }
0xd: {  	s15 =	smax.u32 s15, $0x1;
	s14 =	sadd.s32 s7, s6;
	s6 =	sadd.s32 $0x4000, s5  }
0xe: {  	s7 =	sadd.s32 $0x8000, s5;
	s31 =	sshrl.u32 s11, $0x3;
	s8 =	sadd.s32 $0xC000, s5  }
0xf: {  	s9 =	sadd.s32 $0x10000, s5;
	s10 =	sadd.s32 s12, s16;
	s11 =	sadd.s32 s13, s16  }
0x10: {  	s16 =	simm.s32 $0x2800;
	s17 =	sadd.s32 $0x280, s31;
	s14 =	sadd.s32 $0x3DA00, s14  }
0x11: {  	v0 =	vimm.f32 $0.0e+00;
	s12 =	sadd.s32 s12, s17;
	s13 =	sadd.s32 s13, s17;
	s17 =	simm.s32 $0x3  }
.LBB2_1:
0x12: {  	s25 =	sand.u32 $0xFE00, s3  }
0x13: {  	s26 =	sand.u32 $0x70, s3;
	s28 =	sshrl.u32 s25, $0x2  }
0x14: {  	s25 =	simm.s32 $0x40;
	s28 =	sor.u32 s26, s28;
	s26 =	simm.s32 $0x0  }
.LBB2_2:
0x15: {  	p0 =	sne.s32 s25, $0xFFC0  }
0x16: {  	[tilespmem:s28+$0x2800] =	vst v0;
	s26 =	sadd.s32 $0x10, s26;
	s28 =	smov.u32 s25;
	s25 =	sadd.s32 $0x40, s25  }
.Ltmp0:
0x17: {  	(pc) =	sbr.rel @p0 .LBB2_2-.Ltmp0, $4  }
0x18: {  	_ = 	snop  }
0x19: {  	s28 =	sand.u32 $0xFE00, s28  }
0x1a: {  	s29 =	sand.u32 $0x70, s26;
	s28 =	sshrl.u32 s28, $0x2  }
0x1b: {  	s28 =	sor.u32 s29, s28  }
0x1c: {  	[tilespmem:s28+$0x2800] =	vst v0  }
0x1d: {  	[spmem:s5] =	stream.linear.scatter [tilespmem:s16], [sflag:$0x3], $0x4000, $0x38;
	[tilespmem:$0x1E800] =	vst v63  }
0x1e: {  	_ =	swait.ge [sflag:s17], $0x4000  }
0x1f: {  	[sflag:s17] =	ssyncset.done $0x0  }
0x20: {  	[sflag:s17] =	ssyncadd.s32 $0xFFFFC000  }
0x21: {  	[spmem:s6] =	stream.linear.scatter [tilespmem:s16], [sflag:$0x3], $0x4000, $0x38;
	[tilespmem:$0x1E800] =	vst v63  }
0x22: {  	_ =	swait.ge [sflag:s17], $0x4000  }
0x23: {  	[sflag:s17] =	ssyncset.done $0x0  }
0x24: {  	[sflag:s17] =	ssyncadd.s32 $0xFFFFC000  }
0x25: {  	[spmem:s7] =	stream.linear.scatter [tilespmem:s16], [sflag:$0x3], $0x4000, $0x38;
	[tilespmem:$0x1E800] =	vst v63  }
0x26: {  	_ =	swait.ge [sflag:s17], $0x4000  }
0x27: {  	[sflag:s17] =	ssyncset.done $0x0  }
0x28: {  	[sflag:s17] =	ssyncadd.s32 $0xFFFFC000  }
0x29: {  	[spmem:s8] =	stream.linear.scatter [tilespmem:s16], [sflag:$0x3], $0x4000, $0x38;
	[tilespmem:$0x1E800] =	vst v63  }
0x2a: {  	_ =	swait.ge [sflag:s17], $0x4000  }
0x2b: {  	[sflag:s17] =	ssyncset.done $0x0  }
0x2c: {  	[sflag:s17] =	ssyncadd.s32 $0xFFFFC000  }
0x2d: {  	[spmem:s9] =	stream.linear.scatter [tilespmem:s16], [sflag:$0x3], $0x4000, $0x38;
	[tilespmem:$0x1E800] =	vst v63  }
0x2e: {  	_ =	swait.ge [sflag:s17], $0x4000  }
0x2f: {  	[sflag:s17] =	ssyncset.done $0x0  }
0x30: {  	[sflag:s17] =	ssyncadd.s32 $0xFFFFC000  }
0x31: {  	[bflag:$0x0] =	sbarrier.arrive $0xFFFF  }
0x32: {  	[tilespmem:s3], [sflag:$0x3] =	stream.linear.gather [hbm4b:s10+s3], $0x1400, $0x38;
	[tilespmem:$0x1E800] =	vst v63  }
0x33: {  	_ =	swait.ge [sflag:s17], $0x1400  }
0x34: {  	[sflag:s17] =	ssyncset.done $0x0  }
0x35: {  	[sflag:s17] =	ssyncadd.s32 $0xFFFFEC00  }
0x36: {  	[tilespmem:s18], [sflag:$0x3] =	stream.linear.gather [hbm4b:s11+s3], $0x1400, $0x38;
	[tilespmem:$0x1E800] =	vst v63  }
0x37: {  	_ =	swait.ge [sflag:s17], $0x1400  }
0x38: {  	[sflag:s17] =	ssyncset.done $0x0  }
0x39: {  	[sflag:s17] =	ssyncadd.s32 $0xFFFFEC00  }
0x3a: {  	[tilespmem:s16], [sflag:$0x1] =	stream.indirect.gather [hbm4b:s4+s19], $0x80, s3, s19, $0xb8;
	[tilespmem:$0x1E800] =	vst v63  }
0x3b: {  	_ = 	snop  }
0x3c: {  	[tilespmem:s20], [sflag:$0x1] =	stream.indirect.gather [hbm4b:s4+s19], $0x80, s19, s19, $0xb8;
	[tilespmem:$0x1E800] =	vst v63  }
0x3d: {  	_ =	swait.ge [sflag:s21], $0x4000  }
0x3e: {  	[sflag:s21] =	ssyncset.done $0x0  }
0x3f: {  	[sflag:s21] =	ssyncadd.s32 $0xFFFFC000  }
0x40: {  	[spmem:s1] =	stream.indirect.scatter.add.f32 [tilespmem:s16], [sflag:$0x2], $0x80, s18, s19, $0xb8;
	[tilespmem:$0x1E800] =	vst v63  }
0x41: {  	_ =	swait.ge [sflag:s21], $0x4000  }
0x42: {  	[sflag:s21] =	ssyncset.done $0x0  }
0x43: {  	[sflag:s21] =	ssyncadd.s32 $0xFFFFC000  }
0x44: {  	[spmem:s1] =	stream.indirect.scatter.add.f32 [tilespmem:s20], [sflag:$0x2], $0x80, s22, s19, $0xb8;
	[tilespmem:$0x1E800] =	vst v63  }
0x45: {  	_ =	swait.ge [sflag:s23], $0x4000  }
0x46: {  	[sflag:s23] =	ssyncset.done $0x0  }
0x47: {  	s25 =	simm.s32 $0x100;
	[sflag:s23] =	ssyncadd.s32 $0xFFFFC000  }
0x48: {  	[tilespmem:s16], [sflag:$0x1] =	stream.indirect.gather [hbm4b:s4+s19], $0x80, s25, s19, $0xb8;
	[tilespmem:$0x1E800] =	vst v63  }
0x49: {  	_ =	swait.ge [sflag:s23], $0x4000  }
0x4a: {  	[sflag:s23] =	ssyncset.done $0x0  }
0x4b: {  	s30 =	simm.s32 $0x180;
	[sflag:s23] =	ssyncadd.s32 $0xFFFFC000  }
0x4c: {  	[tilespmem:s20], [sflag:$0x1] =	stream.indirect.gather [hbm4b:s4+s19], $0x80, s30, s19, $0xb8;
	[tilespmem:$0x1E800] =	vst v63  }
0x4d: {  	_ =	swait.ge [sflag:s21], $0x4000  }
0x4e: {  	[sflag:s21] =	ssyncset.done $0x0  }
0x4f: {  	s31 =	simm.s32 $0x1500;
	[sflag:s21] =	ssyncadd.s32 $0xFFFFC000  }
0x50: {  	[spmem:s1] =	stream.indirect.scatter.add.f32 [tilespmem:s16], [sflag:$0x2], $0x80, s31, s19, $0xb8;
	[tilespmem:$0x1E800] =	vst v63  }
0x51: {  	_ =	swait.ge [sflag:s21], $0x4000  }
0x52: {  	[sflag:s21] =	ssyncset.done $0x0  }
0x53: {  	s26 =	simm.s32 $0x1580;
	s25 =	simm.s32 $0xFFFFB800;
	[sflag:s21] =	ssyncadd.s32 $0xFFFFC000  }
.LBB2_4:
0x54: {  	[spmem:s1] =	stream.indirect.scatter.add.f32 [tilespmem:s20], [sflag:$0x2], $0x80, s26, s19, $0xb8;
	[tilespmem:$0x1E800] =	vst v63  }
0x55: {  	s26 =	smov.u32 s25  }
0x56: {  	p0 =	sne.s32 s25, $0xFFFFFC00;
	s25 =	sadd.s32 $0x400, s25;
	_ =	swait.ge [sflag:s23], $0x4000  }
0x57: {  	s26 =	sshra.s32 s26, $0x2;
	[sflag:s23] =	ssyncset.done $0x0  }
0x58: {  	s28 =	sadd.s32 $0x1400, s26;
	[sflag:s23] =	ssyncadd.s32 $0xFFFFC000  }
0x59: {  	[tilespmem:s16], [sflag:$0x1] =	stream.indirect.gather [hbm4b:s4+s19], $0x80, s28, s19, $0xb8;
	[tilespmem:$0x1E800] =	vst v63  }
0x5a: {  	_ =	swait.ge [sflag:s23], $0x4000  }
0x5b: {  	[sflag:s23] =	ssyncset.done $0x0  }
0x5c: {  	s28 =	sadd.s32 $0x1480, s26;
	[sflag:s23] =	ssyncadd.s32 $0xFFFFC000  }
0x5d: {  	[tilespmem:s20], [sflag:$0x1] =	stream.indirect.gather [hbm4b:s4+s19], $0x80, s28, s19, $0xb8;
	[tilespmem:$0x1E800] =	vst v63  }
0x5e: {  	_ =	swait.ge [sflag:s21], $0x4000  }
0x5f: {  	[sflag:s21] =	ssyncset.done $0x0  }
.Ltmp1:
0x60: {  	s28 =	sadd.s32 $0x2800, s26;
	[sflag:s21] =	ssyncadd.s32 $0xFFFFC000;
	(pc) =	sbr.rel @p0 .LBB2_4-.Ltmp1, $4  }
0x61: {  	[spmem:s1] =	stream.indirect.scatter.add.f32 [tilespmem:s16], [sflag:$0x2], $0x80, s28, s19, $0xb8;
	[tilespmem:$0x1E800] =	vst v63  }
0x62: {  	_ =	swait.ge [sflag:s21], $0x4000  }
0x63: {  	[sflag:s21] =	ssyncset.done $0x0  }
0x64: {  	s26 =	sadd.s32 $0x2880, s26;
	[sflag:s21] =	ssyncadd.s32 $0xFFFFC000  }
0x65: {  	[spmem:s1] =	stream.indirect.scatter.add.f32 [tilespmem:s20], [sflag:$0x2], $0x80, s26, s19, $0xb8;
	[tilespmem:$0x1E800] =	vst v63  }
0x66: {  	_ =	swait.ge [sflag:s23], $0x4000  }
0x67: {  	[sflag:s23] =	ssyncset.done $0x0  }
0x68: {  	[sflag:s23] =	ssyncadd.s32 $0xFFFFC000  }
0x69: {  	_ =	swait.ge [sflag:s23], $0x4000  }
0x6a: {  	[sflag:s23] =	ssyncset.done $0x0  }
0x6b: {  	[sflag:s23] =	ssyncadd.s32 $0xFFFFC000  }
0x6c: {  	[tilespmem:s3], [sflag:$0x3] =	stream.linear.gather [hbm4b:s12+s3], $0x1400, $0x38;
	[tilespmem:$0x1E800] =	vst v63  }
0x6d: {  	_ =	swait.ge [sflag:s17], $0x1400  }
0x6e: {  	[sflag:s17] =	ssyncset.done $0x0  }
0x6f: {  	[sflag:s17] =	ssyncadd.s32 $0xFFFFEC00  }
0x70: {  	[tilespmem:s18], [sflag:$0x3] =	stream.linear.gather [hbm4b:s13+s3], $0x1400, $0x38;
	[tilespmem:$0x1E800] =	vst v63  }
0x71: {  	_ =	swait.ge [sflag:s17], $0x1400  }
0x72: {  	[sflag:s17] =	ssyncset.done $0x0  }
0x73: {  	[sflag:s17] =	ssyncadd.s32 $0xFFFFEC00  }
0x74: {  	[tilespmem:s16], [sflag:$0x1] =	stream.indirect.gather [hbm4b:s4+s19], $0x80, s3, s19, $0xb8;
	[tilespmem:$0x1E800] =	vst v63  }
0x75: {  	_ = 	snop  }
0x76: {  	[tilespmem:s20], [sflag:$0x1] =	stream.indirect.gather [hbm4b:s4+s19], $0x80, s19, s19, $0xb8;
	[tilespmem:$0x1E800] =	vst v63  }
0x77: {  	_ =	swait.ge [sflag:s21], $0x4000  }
0x78: {  	[sflag:s21] =	ssyncset.done $0x0  }
0x79: {  	[sflag:s21] =	ssyncadd.s32 $0xFFFFC000  }
0x7a: {  	[spmem:s1] =	stream.indirect.scatter.add.f32 [tilespmem:s16], [sflag:$0x2], $0x80, s18, s19, $0xb8;
	[tilespmem:$0x1E800] =	vst v63  }
0x7b: {  	_ =	swait.ge [sflag:s21], $0x4000  }
0x7c: {  	[sflag:s21] =	ssyncset.done $0x0  }
0x7d: {  	[sflag:s21] =	ssyncadd.s32 $0xFFFFC000  }
0x7e: {  	[spmem:s1] =	stream.indirect.scatter.add.f32 [tilespmem:s20], [sflag:$0x2], $0x80, s22, s19, $0xb8;
	[tilespmem:$0x1E800] =	vst v63  }
0x7f: {  	_ =	swait.ge [sflag:s23], $0x4000  }
0x80: {  	[sflag:s23] =	ssyncset.done $0x0  }
0x81: {  	s25 =	simm.s32 $0x100;
	[sflag:s23] =	ssyncadd.s32 $0xFFFFC000  }
0x82: {  	[tilespmem:s16], [sflag:$0x1] =	stream.indirect.gather [hbm4b:s4+s19], $0x80, s25, s19, $0xb8;
	[tilespmem:$0x1E800] =	vst v63  }
0x83: {  	_ =	swait.ge [sflag:s23], $0x4000  }
0x84: {  	[sflag:s23] =	ssyncset.done $0x0  }
0x85: {  	s30 =	simm.s32 $0x180;
	[sflag:s23] =	ssyncadd.s32 $0xFFFFC000  }
0x86: {  	[tilespmem:s20], [sflag:$0x1] =	stream.indirect.gather [hbm4b:s4+s19], $0x80, s30, s19, $0xb8;
	[tilespmem:$0x1E800] =	vst v63  }
0x87: {  	_ =	swait.ge [sflag:s21], $0x4000  }
0x88: {  	[sflag:s21] =	ssyncset.done $0x0  }
0x89: {  	s31 =	simm.s32 $0x1500;
	[sflag:s21] =	ssyncadd.s32 $0xFFFFC000  }
0x8a: {  	[spmem:s1] =	stream.indirect.scatter.add.f32 [tilespmem:s16], [sflag:$0x2], $0x80, s31, s19, $0xb8;
	[tilespmem:$0x1E800] =	vst v63  }
0x8b: {  	_ =	swait.ge [sflag:s21], $0x4000  }
0x8c: {  	[sflag:s21] =	ssyncset.done $0x0  }
0x8d: {  	s26 =	simm.s32 $0x1580;
	s25 =	simm.s32 $0xFFFFB800;
	[sflag:s21] =	ssyncadd.s32 $0xFFFFC000  }
.LBB2_6:
0x8e: {  	[spmem:s1] =	stream.indirect.scatter.add.f32 [tilespmem:s20], [sflag:$0x2], $0x80, s26, s19, $0xb8;
	[tilespmem:$0x1E800] =	vst v63  }
0x8f: {  	s26 =	smov.u32 s25  }
0x90: {  	p0 =	sne.s32 s25, $0xFFFFFC00;
	s25 =	sadd.s32 $0x400, s25;
	_ =	swait.ge [sflag:s23], $0x4000  }
0x91: {  	s26 =	sshra.s32 s26, $0x2;
	[sflag:s23] =	ssyncset.done $0x0  }
0x92: {  	s28 =	sadd.s32 $0x1400, s26;
	[sflag:s23] =	ssyncadd.s32 $0xFFFFC000  }
0x93: {  	[tilespmem:s16], [sflag:$0x1] =	stream.indirect.gather [hbm4b:s4+s19], $0x80, s28, s19, $0xb8;
	[tilespmem:$0x1E800] =	vst v63  }
0x94: {  	_ =	swait.ge [sflag:s23], $0x4000  }
0x95: {  	[sflag:s23] =	ssyncset.done $0x0  }
0x96: {  	s28 =	sadd.s32 $0x1480, s26;
	[sflag:s23] =	ssyncadd.s32 $0xFFFFC000  }
0x97: {  	[tilespmem:s20], [sflag:$0x1] =	stream.indirect.gather [hbm4b:s4+s19], $0x80, s28, s19, $0xb8;
	[tilespmem:$0x1E800] =	vst v63  }
0x98: {  	_ =	swait.ge [sflag:s21], $0x4000  }
0x99: {  	[sflag:s21] =	ssyncset.done $0x0  }
.Ltmp2:
0x9a: {  	s28 =	sadd.s32 $0x2800, s26;
	[sflag:s21] =	ssyncadd.s32 $0xFFFFC000;
	(pc) =	sbr.rel @p0 .LBB2_6-.Ltmp2, $4  }
0x9b: {  	[spmem:s1] =	stream.indirect.scatter.add.f32 [tilespmem:s16], [sflag:$0x2], $0x80, s28, s19, $0xb8;
	[tilespmem:$0x1E800] =	vst v63  }
0x9c: {  	_ =	swait.ge [sflag:s21], $0x4000  }
0x9d: {  	[sflag:s21] =	ssyncset.done $0x0  }
0x9e: {  	s26 =	sadd.s32 $0x2880, s26;
	[sflag:s21] =	ssyncadd.s32 $0xFFFFC000  }
0x9f: {  	[spmem:s1] =	stream.indirect.scatter.add.f32 [tilespmem:s20], [sflag:$0x2], $0x80, s26, s19, $0xb8;
	[tilespmem:$0x1E800] =	vst v63  }
0xa0: {  	_ =	swait.ge [sflag:s23], $0x4000  }
0xa1: {  	[sflag:s23] =	ssyncset.done $0x0  }
0xa2: {  	[sflag:s23] =	ssyncadd.s32 $0xFFFFC000  }
0xa3: {  	_ =	swait.ge [sflag:s23], $0x4000  }
0xa4: {  	s25 =	sshll.u32 s2, $0x6;
	s24 =	sadd.s32 $0x1, s24;
	[sflag:s23] =	ssyncset.done $0x0  }
0xa5: {  	s31 =	sshrl.u32 s5, $0x3;
	p0 =	sne.s32 s24, s15;
	[sflag:s23] =	ssyncadd.s32 $0xFFFFC000  }
.Ltmp3:
0xa6: {  	s25 =	sor.u32 $0x1C03, s25;
	[bflag:$0x0] =	sbarrier.arrive $0xFFFF;
	(pc) =	sbr.rel @p0 .LBB2_1-.Ltmp3, $4  }
0xa7: {  	[hbm:s14], [sflag:s25] =	dma.local [spmem:s31], $0x2800  }
0xa8: {  	_ =	swait.ge [sflag:s17], $0x2800  }
0xa9: {  	[sflag:s17] =	ssyncset.done $0x0  }
0xaa: {  	[sflag:s17] =	ssyncadd.s32 $0xFFFFD800  }
0xab: {  	_ =	sfence.sel $0x180000  }
0xac: {  	[bflag:$0x0] =	sbarrier.arrive $0xFFFF  }
0xad: {  	p0 =	sne.s32 s2, $0x0;
	_ =	strace $0x9000004A  }
0xae: {  	s0 =	sadd.s32 @!p0 $0x100000, s0;
	[bflag:$0x2] =	sbarrier.arrive $0xFFFF  }
0xaf: {  	[sflag:s0] =	ssyncadd.tile.s32 @!p0 $0x1;
	_ =	shalt  }
.Lfunc_end2:
_tile_overlayer_lowered:
.L_overlay_start_2:
0xb0: {  	(tag) =	ssettag $0x2  }
0xb1: {  	s0 =	rddreg [dreg:$0x0];
	s2 =	stileid.u32  }
0xb2: {  	s1 =	rddreg [dreg:$0x1];
	p0 =	sne.s32 s2, $0x0  }
0xb3: {  	s3 =	rddreg [dreg:$0x2];
	[bflag:$0x3] =	sbarrier.arrive $0xFFFF;
	s2 =	simm.s32 @!p0 $0x1C03  }
0xb4: {  	[timem:s3], [sflag:s2] =	dma.local @!p0 [hbm:s0], s1  }
0xb5: {  	s0 =	simm.s32 @!p0 $0x3  }
0xb6: {  	_ =	swait.ge @!p0 [sflag:s0], s1  }
0xb7: {  	s1 =	ssub.s32 @!p0 $0x0, s1;
	[sflag:s0] =	ssyncset.done @!p0 $0x0  }
0xb8: {  	[sflag:s0] =	ssyncadd.s32 @!p0 s1  }
0xb9: {  	[bflag:$0x3] =	sbarrier.arrive $0xFFFF  }
0xba: {  	_ =	shalt  }

</sc_bundles>
